<compile_context>
chip_gen: v7x
topology: tpu7x:2x2x1
jax: 0.10.2.dev20260603
libtpu: 0.0.44.dev20260713+nightly
codegen_flags: <defaults>
</compile_context>

<pallas_src>
import jax
import jax.numpy as jnp
from jax import lax
from jax.experimental import pallas as pl
from jax.experimental.pallas import tpu as pltpu
from jax.experimental.pallas import tpu_sc as plsc

N_NODES = 10000
N_EDGES = 320000
IN_FEATS = 128
HIDDEN = 16
OUT_FEATS = 2

NC, NS = 2, 16
NW = NC * NS
NP = 10240
NQ = NP // 8
RPT = NP // NS
EPW = N_EDGES // NW
K = 80
NCHUNK = EPW // K
DG = 16
DS = 8


def _sc_mesh():
    return plsc.VectorSubcoreMesh(
        core_axis_name="c", subcore_axis_name="s",
        num_cores=NC, num_subcores=NS)



def _deg_body(dst_hbm, ones_hbm, zeros_hbm, out_hbm, dst_v, ones_v, acc_sh,
              ssem):
    c = lax.axis_index("c")
    s = lax.axis_index("s")
    wid = s * NC + c
    pltpu.sync_copy(zeros_hbm, acc_sh.at[pl.ds(s * RPT, RPT)])
    pltpu.sync_copy(dst_hbm.at[pl.ds(wid * EPW, EPW)], dst_v)
    pltpu.sync_copy(ones_hbm, ones_v)
    plsc.subcore_barrier()

    def fire(j, carry):
        pltpu.async_copy(ones_v, acc_sh.at[dst_v.at[pl.ds(j * K, K)]],
                         ssem, add=True)
        return carry
    lax.fori_loop(0, NCHUNK, fire, 0)

    def drain(j, carry):
        pltpu.make_async_copy(ones_hbm, ones_v, ssem).wait()
        return carry
    lax.fori_loop(0, NCHUNK, drain, 0)

    plsc.subcore_barrier()
    pltpu.sync_copy(acc_sh.at[pl.ds(s * RPT, RPT)],
                    out_hbm.at[c].at[pl.ds(s * RPT, RPT)])


def _agg_body(rows_hbm, src_hbm, dst_hbm, zeros_hbm, out_hbm,
              src_v, dst_v, bufs, acc_sh, rows_sh, gsem, ssem):
    c = lax.axis_index("c")
    s = lax.axis_index("s")
    wid = s * NC + c
    pltpu.sync_copy(zeros_hbm, acc_sh.at[pl.ds(s * RPT, RPT)])
    pltpu.sync_copy(src_hbm.at[pl.ds(wid * EPW, EPW)], src_v)
    pltpu.sync_copy(dst_hbm.at[pl.ds(wid * EPW, EPW)], dst_v)
    pltpu.sync_copy(rows_hbm.at[pl.ds(s * RPT, RPT)],
                    rows_sh.at[pl.ds(s * RPT, RPT)])
    plsc.subcore_barrier()

    def fire_gather(j):
        idx = src_v.at[pl.ds(j * K, K)]
        pltpu.async_copy(rows_sh.at[idx], bufs.at[j % DG], gsem)

    def fire_scatter(j):
        idx = dst_v.at[pl.ds(j * K, K)]
        pltpu.async_copy(bufs.at[j % DG], acc_sh.at[idx], ssem, add=True)

    def wait1(sem):
        pltpu.make_async_copy(rows_hbm.at[pl.ds(0, K)],
                              bufs.at[0], sem).wait()

    def prime(j, carry):
        fire_gather(j)
        return carry
    lax.fori_loop(0, DG, prime, 0)

    def head(j, carry):
        wait1(gsem)
        fire_scatter(j)
        return carry
    lax.fori_loop(0, DS, head, 0)

    def steady(j, carry):
        wait1(gsem)
        fire_scatter(j)
        wait1(ssem)
        fire_gather(j + DG - DS)
        return carry
    lax.fori_loop(DS, NCHUNK - DG + DS, steady, 0)

    def tail(j, carry):
        wait1(gsem)
        fire_scatter(j)
        wait1(ssem)
        return carry
    lax.fori_loop(NCHUNK - DG + DS, NCHUNK, tail, 0)

    def flush(j, carry):
        wait1(ssem)
        return carry
    lax.fori_loop(0, DS, flush, 0)

    plsc.subcore_barrier()
    pltpu.sync_copy(acc_sh.at[pl.ds(s * RPT, RPT)],
                    out_hbm.at[c].at[pl.ds(s * RPT, RPT)])


_sc_params = pltpu.CompilerParams(use_tc_tiling_on_sc=False)

_deg_call = pl.kernel(
    _deg_body,
    out_type=jax.ShapeDtypeStruct((NC, NP, HIDDEN), jnp.float32),
    mesh=_sc_mesh(),
    compiler_params=_sc_params,
    scratch_types=[
        pltpu.VMEM((EPW,), jnp.int32),
        pltpu.VMEM((K, HIDDEN), jnp.float32),
        pltpu.VMEM_SHARED((NP, HIDDEN), jnp.float32),
        pltpu.SemaphoreType.DMA,
    ],
)

_agg_call = pl.kernel(
    _agg_body,
    out_type=jax.ShapeDtypeStruct((NC, NP, HIDDEN), jnp.float32),
    mesh=_sc_mesh(),
    compiler_params=_sc_params,
    scratch_types=[
        pltpu.VMEM((EPW,), jnp.int32),
        pltpu.VMEM((EPW,), jnp.int32),
        pltpu.VMEM((DG, K, HIDDEN), jnp.float32),
        pltpu.VMEM_SHARED((NP, HIDDEN), jnp.float32),
        pltpu.VMEM_SHARED((NP, HIDDEN), jnp.float32),
        pltpu.SemaphoreType.DMA,
        pltpu.SemaphoreType.DMA,
    ],
)



def _perm_u(u):
    t = u >> 8
    d = ((t << 3) + (t << 2) + t) >> 6
    m = u - ((d << 10) + (d << 8))
    return (m << 3) + d


def _tc0_body(e_ref, src_o, dst_o):
    src_o[...] = _perm_u(e_ref[0, :])
    dst_o[...] = _perm_u(e_ref[1, :])


def _tc1a_body(x, w1, hq):
    h = jnp.dot(x[...], w1[...], preferred_element_type=jnp.float32)
    blocks = [h[i * NQ:(i + 1) * NQ, :] for i in range(7)]
    tail = jnp.concatenate(
        [h[7 * NQ:N_NODES, :],
         jnp.zeros((NP - N_NODES, HIDDEN), jnp.float32)], axis=0)
    hq[...] = jnp.concatenate(blocks + [tail], axis=1)


def _tc1b_body(hq, degq, hsq, dinvq):
    dinv = lax.rsqrt(degq[0] + degq[1] + 1.0)
    dinvq[...] = dinv
    hsq[...] = hq[...] * dinv


def _tc2_body(a1p, hsq, dinvq, b1t, gsq):
    a1 = (a1p[0] + a1p[1] + hsq[...]) * dinvq[...] + b1t[...]
    gsq[...] = jnp.maximum(a1, 0.0) * dinvq[...]


def _tc3_body(a2p, gsq, dinvq, w2b, b2t, out):
    a2 = (a2p[0] + a2p[1] + gsq[...]) * dinvq[...]
    out[...] = jnp.dot(a2, w2b[...], preferred_element_type=jnp.float32) \
        + b2t[...]


_tc0 = pl.pallas_call(
    _tc0_body,
    out_shape=[jax.ShapeDtypeStruct((N_EDGES,), jnp.int32),
               jax.ShapeDtypeStruct((N_EDGES,), jnp.int32)],
)

_tc1a = pl.pallas_call(
    _tc1a_body,
    out_shape=jax.ShapeDtypeStruct((NQ, 128), jnp.float32),
)

_tc1b = pl.pallas_call(
    _tc1b_body,
    out_shape=[jax.ShapeDtypeStruct((NQ, 128), jnp.float32),
               jax.ShapeDtypeStruct((NQ, 128), jnp.float32)],
)

_tc2 = pl.pallas_call(
    _tc2_body,
    out_shape=jax.ShapeDtypeStruct((NQ, 128), jnp.float32),
)

_tc3 = pl.pallas_call(
    _tc3_body,
    out_shape=jax.ShapeDtypeStruct((NQ, 8 * OUT_FEATS), jnp.float32),
)


def kernel(x, edge_index, W1, b1, W2, b2):
    src_p, dst_p = _tc0(edge_index.astype(jnp.int32))
    w2b = jnp.kron(jnp.eye(8, dtype=jnp.float32), W2)
    b1t = jnp.tile(b1, 8).reshape(1, 128)
    b2t = jnp.tile(b2, 8).reshape(1, 8 * OUT_FEATS)
    onesKH = jnp.ones((K, HIDDEN), jnp.float32)
    zerosRH = jnp.zeros((RPT, HIDDEN), jnp.float32)

    degp = _deg_call(dst_p, onesKH, zerosRH)
    hq = _tc1a(x, W1)
    hsq, dinvq = _tc1b(hq, degp.reshape(NC, NQ, 128))
    a1p = _agg_call(hsq.reshape(NP, HIDDEN), src_p, dst_p, zerosRH)
    gsq = _tc2(a1p.reshape(NC, NQ, 128), hsq, dinvq, b1t)
    a2p = _agg_call(gsq.reshape(NP, HIDDEN), src_p, dst_p, zerosRH)
    outq = _tc3(a2p.reshape(NC, NQ, 128), gsq, dinvq, w2b, b2t)
    o = outq.reshape(NQ, 8, OUT_FEATS).transpose(1, 0, 2)
    return o.reshape(NP, OUT_FEATS)[:N_NODES]

# --- scband reference (transcript-rebuilt; emitter-appended) ---
"""Pipeline reference for scband-gcn-10479720202240 (READ-ONLY COPY).

The authoritative reference and input builder live on the scoring server;
editing this copy changes nothing except your own understanding.
"""

import jax, jax.numpy as jnp
import numpy as np

N_NODES = 10000
N_EDGES = 320000
IN_FEATS = 128
HIDDEN = 16
OUT_FEATS = 2


def setup_inputs(seed: int = 0) -> dict:
    key = jax.random.key(seed)
    k1, k2, k3, k4, k5, k6 = jax.random.split(key, 6)
    x = jax.random.normal(k1, (N_NODES, IN_FEATS), dtype=jnp.float32)
    edge_index = jax.random.randint(k2, (2, N_EDGES), 0, N_NODES, dtype=jnp.int64)
    # GCNConv layer 1 params (glorot-ish init)
    W1 = jax.random.normal(k3, (IN_FEATS, HIDDEN), dtype=jnp.float32) * (1.0 / np.sqrt(IN_FEATS))
    b1 = jnp.zeros((HIDDEN,), dtype=jnp.float32)
    # GCNConv layer 2 params
    W2 = jax.random.normal(k4, (HIDDEN, OUT_FEATS), dtype=jnp.float32) * (1.0 / np.sqrt(HIDDEN))
    b2 = jnp.zeros((OUT_FEATS,), dtype=jnp.float32)
    return {"x": x, "edge_index": edge_index, "W1": W1, "b1": b1, "W2": W2, "b2": b2}


def _gcn_conv(x, src, dst, W, b, n_nodes):
    # symmetric normalization with self-loops (PyG GCNConv semantics)
    deg = jnp.zeros((n_nodes,), dtype=x.dtype).at[dst].add(1.0)
    dinv = jnp.where(deg > 0, 1.0 / jnp.sqrt(deg), 0.0)
    norm = dinv[src] * dinv[dst]
    h = x @ W
    msg = h[src] * norm[:, None]
    out = jnp.zeros((n_nodes, W.shape[1]), dtype=x.dtype).at[dst].add(msg)
    return out + b


def reference(x, edge_index, W1, b1, W2, b2):
    n = x.shape[0]
    loop = jnp.arange(n, dtype=edge_index.dtype)
    src = jnp.concatenate([edge_index[0], loop])
    dst = jnp.concatenate([edge_index[1], loop])
    h = _gcn_conv(x, src, dst, W1, b1, n)
    h = jax.nn.relu(h)
    out = _gcn_conv(h, src, dst, W2, b2, n)
    return out

if __name__ == "__main__":
    import jax
    _d = setup_inputs()
    print(jax.jit(kernel)(*tuple(_d.values())))

</pallas_src>

<mosaic_0001>
#map = affine_map<(d0, d1) -> (0)>
#map1 = affine_map<(d0, d1) -> (0, 0)>
#map2 = affine_map<(d0, d1) -> (0, 0, 0)>
module attributes {stable_mosaic.version = 14 : i64} {
  func.func @_deg_body(%arg0: i32, %arg1: i32, %arg2: memref<320000xi32, #tpu.memory_space<hbm>>, %arg3: memref<80x16xf32, #tpu.memory_space<hbm>>, %arg4: memref<640x16xf32, #tpu.memory_space<hbm>>, %arg5: memref<2x10240x16xf32, #tpu.memory_space<hbm>>, %arg6: memref<10000xi32, #tpu.memory_space<vmem>>, %arg7: memref<80x16xf32, #tpu.memory_space<vmem>>, %arg8: memref<10240x16xf32, #tpu.memory_space<vmem_shared>>, %arg9: memref<!tpu.dma_semaphore, #tpu.memory_space<semaphore_mem>>) attributes {dimension_semantics = [#tpu.dimension_semantics<core_parallel>, #tpu.dimension_semantics<subcore_parallel>], iteration_bounds = array<i64: 2, 16>, scalar_prefetch = 0 : i64, scratch_operands = 4 : i64, tpu.core_type = #tpu.core_type<sc_vector_subcore>, window_params = [{transform_indices = #map}, {transform_indices = #map1}, {transform_indices = #map1}, {transform_indices = #map2}]} {
    %mul3A = arith.constant 2 : i32
    %mul3A_0 = arith.muli %arg1, %mul3A : i32
    %add3A = arith.addi %mul3A_0, %arg0 : i32
    %mul3A_1 = arith.constant 640 : i32
    %mul3A_2 = arith.muli %arg1, %mul3A_1 : i32
    "tpu.region"() ({
      %run_scoped3A = tpu.sem_alloc : memref<!tpu.dma_semaphore, #tpu.memory_space<semaphore_mem>>
      %dma_start3A = arith.constant 0 : i32
      %dma_start3A_21 = tpu.memref_slice %arg8[%mul3A_2, %dma_start3A] : memref<10240x16xf32, #tpu.memory_space<vmem_shared>> -> memref<640x16xf32, #tpu.memory_space<vmem_shared>>
      tpu.enqueue_dma source(%arg4 : memref<640x16xf32, #tpu.memory_space<hbm>>) target(%dma_start3A_21 : memref<640x16xf32, #tpu.memory_space<vmem_shared>>) target_semaphore(%run_scoped3A : memref<!tpu.dma_semaphore, #tpu.memory_space<semaphore_mem>>)
      %dma_wait3A = arith.constant 0 : i32
      %dma_wait3A_22 = tpu.memref_slice %arg8[%mul3A_2, %dma_wait3A] : memref<10240x16xf32, #tpu.memory_space<vmem_shared>> -> memref<640x16xf32, #tpu.memory_space<vmem_shared>>
      tpu.wait_dma2 semaphore(%run_scoped3A : memref<!tpu.dma_semaphore, #tpu.memory_space<semaphore_mem>>) src(%arg4 : memref<640x16xf32, #tpu.memory_space<hbm>>) dst(%dma_wait3A_22 : memref<640x16xf32, #tpu.memory_space<vmem_shared>>)
      tpu.yield
    }) : () -> ()
    %mul3A_3 = arith.constant 10000 : i32
    %mul3A_4 = arith.muli %add3A, %mul3A_3 : i32
    "tpu.region"() ({
      %run_scoped3A = tpu.sem_alloc : memref<!tpu.dma_semaphore, #tpu.memory_space<semaphore_mem>>
      %dma_start3A = tpu.memref_slice %arg2[%mul3A_4] : memref<320000xi32, #tpu.memory_space<hbm>> -> memref<10000xi32, #tpu.memory_space<hbm>>
      %dma_start3A_21 = tpu.memref_slice %arg2[%mul3A_4] : memref<320000xi32, #tpu.memory_space<hbm>> -> memref<10000xi32, #tpu.memory_space<hbm>>
      tpu.enqueue_dma source(%dma_start3A_21 : memref<10000xi32, #tpu.memory_space<hbm>>) target(%arg6 : memref<10000xi32, #tpu.memory_space<vmem>>) target_semaphore(%run_scoped3A : memref<!tpu.dma_semaphore, #tpu.memory_space<semaphore_mem>>)
      %dma_wait3A = tpu.memref_slice %arg2[%mul3A_4] : memref<320000xi32, #tpu.memory_space<hbm>> -> memref<10000xi32, #tpu.memory_space<hbm>>
      %dma_wait3A_22 = tpu.memref_slice %arg2[%mul3A_4] : memref<320000xi32, #tpu.memory_space<hbm>> -> memref<10000xi32, #tpu.memory_space<hbm>>
      tpu.wait_dma2 semaphore(%run_scoped3A : memref<!tpu.dma_semaphore, #tpu.memory_space<semaphore_mem>>) src(%dma_wait3A_22 : memref<10000xi32, #tpu.memory_space<hbm>>) dst(%arg6 : memref<10000xi32, #tpu.memory_space<vmem>>)
      tpu.yield
    }) : () -> ()
    "tpu.region"() ({
      %run_scoped3A = tpu.sem_alloc : memref<!tpu.dma_semaphore, #tpu.memory_space<semaphore_mem>>
      tpu.enqueue_dma source(%arg3 : memref<80x16xf32, #tpu.memory_space<hbm>>) target(%arg7 : memref<80x16xf32, #tpu.memory_space<vmem>>) target_semaphore(%run_scoped3A : memref<!tpu.dma_semaphore, #tpu.memory_space<semaphore_mem>>)
      tpu.wait_dma2 semaphore(%run_scoped3A : memref<!tpu.dma_semaphore, #tpu.memory_space<semaphore_mem>>) src(%arg3 : memref<80x16xf32, #tpu.memory_space<hbm>>) dst(%arg7 : memref<80x16xf32, #tpu.memory_space<vmem>>)
      tpu.yield
    }) : () -> ()
    %barrier3A = arith.constant 0 : index
    tpu.barrier barrier_id(%barrier3A)
    %scan3A = arith.constant 0 : i32
    %scan3A_5 = arith.constant 0 : i32
    %scan3A_6 = arith.constant 125 : i32
    %scan3A_7 = arith.addi %scan3A_5, %scan3A_6 : i32
    %scan3A_8 = arith.constant 1 : i32
    scf.for %scan3A_21 = %scan3A_5 to %scan3A_7 step %scan3A_8  : i32 {
      %mul3A_22 = arith.constant 80 : i32
      %mul3A_23 = arith.muli %scan3A_21, %mul3A_22 : i32
      %dma_start3A = tpu.memref_slice %arg6[%mul3A_23] : memref<10000xi32, #tpu.memory_space<vmem>> -> memref<80xi32, #tpu.memory_space<vmem>>
      %dma_start3A_24 = arith.constant 0 : i32
      %dma_start3A_25 = arith.constant 0 : i32
      %dma_start3A_26 = tpu.memref_slice %arg8[%dma_start3A_24, %dma_start3A_25] : memref<10240x16xf32, #tpu.memory_space<vmem_shared>> -> memref<10240x16xf32, #tpu.memory_space<vmem_shared>>
      tpu.enqueue_indirect_dma source(%arg7 : memref<80x16xf32, #tpu.memory_space<vmem>>) target(%dma_start3A_26 : memref<10240x16xf32, #tpu.memory_space<vmem_shared>>) offsets(%dma_start3A : memref<80xi32, #tpu.memory_space<vmem>>) semaphore(%arg9 : memref<!tpu.dma_semaphore, #tpu.memory_space<semaphore_mem>>) {add = true}
    }
    %scan3A_9 = arith.constant 125 : i32
    %scan3A_10 = arith.constant 0 : i32
    %scan3A_11 = arith.constant 0 : i32
    %scan3A_12 = arith.constant 125 : i32
    %scan3A_13 = arith.addi %scan3A_11, %scan3A_12 : i32
    %scan3A_14 = arith.constant 1 : i32
    scf.for %scan3A_21 = %scan3A_11 to %scan3A_13 step %scan3A_14  : i32 {
      tpu.wait_dma2 semaphore(%arg9 : memref<!tpu.dma_semaphore, #tpu.memory_space<semaphore_mem>>) src(%arg3 : memref<80x16xf32, #tpu.memory_space<hbm>>) dst(%arg7 : memref<80x16xf32, #tpu.memory_space<vmem>>)
    }
    %scan3A_15 = arith.constant 125 : i32
    %barrier3A_16 = arith.constant 0 : index
    tpu.barrier barrier_id(%barrier3A_16)
    %mul3A_17 = arith.constant 640 : i32
    %mul3A_18 = arith.muli %arg1, %mul3A_17 : i32
    %mul3A_19 = arith.constant 640 : i32
    %mul3A_20 = arith.muli %arg1, %mul3A_19 : i32
    "tpu.region"() ({
      %run_scoped3A = tpu.sem_alloc : memref<!tpu.dma_semaphore, #tpu.memory_space<semaphore_mem>>
      %dma_start3A = arith.constant 0 : i32
      %dma_start3A_21 = arith.constant 0 : i32
      %dma_start3A_22 = tpu.memref_slice %arg5[%arg0, %dma_start3A, %dma_start3A_21] : memref<2x10240x16xf32, #tpu.memory_space<hbm>> -> memref<1x10240x16xf32, #tpu.memory_space<hbm>>
      %dma_start3A_23 = tpu.memref_squeeze %dma_start3A_22 : memref<1x10240x16xf32, #tpu.memory_space<hbm>> -> memref<10240x16xf32, #tpu.memory_space<hbm>>
      %dma_start3A_24 = arith.constant 0 : i32
      %dma_start3A_25 = tpu.memref_slice %dma_start3A_23[%mul3A_20, %dma_start3A_24] : memref<10240x16xf32, #tpu.memory_space<hbm>> -> memref<640x16xf32, #tpu.memory_space<hbm>>
      %dma_start3A_26 = arith.constant 0 : i32
      %dma_start3A_27 = tpu.memref_slice %arg8[%mul3A_18, %dma_start3A_26] : memref<10240x16xf32, #tpu.memory_space<vmem_shared>> -> memref<640x16xf32, #tpu.memory_space<vmem_shared>>
      tpu.enqueue_dma source(%dma_start3A_27 : memref<640x16xf32, #tpu.memory_space<vmem_shared>>) target(%dma_start3A_25 : memref<640x16xf32, #tpu.memory_space<hbm>>) target_semaphore(%run_scoped3A : memref<!tpu.dma_semaphore, #tpu.memory_space<semaphore_mem>>)
      %dma_wait3A = arith.constant 0 : i32
      %dma_wait3A_28 = arith.constant 0 : i32
      %dma_wait3A_29 = tpu.memref_slice %arg5[%arg0, %dma_wait3A, %dma_wait3A_28] : memref<2x10240x16xf32, #tpu.memory_space<hbm>> -> memref<1x10240x16xf32, #tpu.memory_space<hbm>>
      %dma_wait3A_30 = tpu.memref_squeeze %dma_wait3A_29 : memref<1x10240x16xf32, #tpu.memory_space<hbm>> -> memref<10240x16xf32, #tpu.memory_space<hbm>>
      %dma_wait3A_31 = arith.constant 0 : i32
      %dma_wait3A_32 = tpu.memref_slice %dma_wait3A_30[%mul3A_20, %dma_wait3A_31] : memref<10240x16xf32, #tpu.memory_space<hbm>> -> memref<640x16xf32, #tpu.memory_space<hbm>>
      %dma_wait3A_33 = arith.constant 0 : i32
      %dma_wait3A_34 = tpu.memref_slice %arg8[%mul3A_18, %dma_wait3A_33] : memref<10240x16xf32, #tpu.memory_space<vmem_shared>> -> memref<640x16xf32, #tpu.memory_space<vmem_shared>>
      tpu.wait_dma2 semaphore(%run_scoped3A : memref<!tpu.dma_semaphore, #tpu.memory_space<semaphore_mem>>) src(%dma_wait3A_34 : memref<640x16xf32, #tpu.memory_space<vmem_shared>>) dst(%dma_wait3A_32 : memref<640x16xf32, #tpu.memory_space<hbm>>)
      tpu.yield
    }) : () -> ()
    return
  }
}

#map = affine_map<(d0, d1) -> (0, 0)>
#map1 = affine_map<(d0, d1) -> (0)>
#map2 = affine_map<(d0, d1) -> (0, 0, 0)>
module attributes {stable_mosaic.version = 14 : i64} {
  func.func @_agg_body(%arg0: i32, %arg1: i32, %arg2: memref<10240x16xf32, #tpu.memory_space<hbm>>, %arg3: memref<320000xi32, #tpu.memory_space<hbm>>, %arg4: memref<320000xi32, #tpu.memory_space<hbm>>, %arg5: memref<640x16xf32, #tpu.memory_space<hbm>>, %arg6: memref<2x10240x16xf32, #tpu.memory_space<hbm>>, %arg7: memref<10000xi32, #tpu.memory_space<vmem>>, %arg8: memref<10000xi32, #tpu.memory_space<vmem>>, %arg9: memref<16x80x16xf32, #tpu.memory_space<vmem>>, %arg10: memref<10240x16xf32, #tpu.memory_space<vmem_shared>>, %arg11: memref<10240x16xf32, #tpu.memory_space<vmem_shared>>, %arg12: memref<!tpu.dma_semaphore, #tpu.memory_space<semaphore_mem>>, %arg13: memref<!tpu.dma_semaphore, #tpu.memory_space<semaphore_mem>>) attributes {dimension_semantics = [#tpu.dimension_semantics<core_parallel>, #tpu.dimension_semantics<subcore_parallel>], iteration_bounds = array<i64: 2, 16>, scalar_prefetch = 0 : i64, scratch_operands = 7 : i64, tpu.core_type = #tpu.core_type<sc_vector_subcore>, window_params = [{transform_indices = #map}, {transform_indices = #map1}, {transform_indices = #map1}, {transform_indices = #map}, {transform_indices = #map2}]} {
    %mul3A = arith.constant 2 : i32
    %mul3A_0 = arith.muli %arg1, %mul3A : i32
    %add3A = arith.addi %mul3A_0, %arg0 : i32
    %mul3A_1 = arith.constant 640 : i32
    %mul3A_2 = arith.muli %arg1, %mul3A_1 : i32
    "tpu.region"() ({
      %run_scoped3A = tpu.sem_alloc : memref<!tpu.dma_semaphore, #tpu.memory_space<semaphore_mem>>
      %dma_start3A = arith.constant 0 : i32
      %dma_start3A_45 = tpu.memref_slice %arg10[%mul3A_2, %dma_start3A] : memref<10240x16xf32, #tpu.memory_space<vmem_shared>> -> memref<640x16xf32, #tpu.memory_space<vmem_shared>>
      tpu.enqueue_dma source(%arg5 : memref<640x16xf32, #tpu.memory_space<hbm>>) target(%dma_start3A_45 : memref<640x16xf32, #tpu.memory_space<vmem_shared>>) target_semaphore(%run_scoped3A : memref<!tpu.dma_semaphore, #tpu.memory_space<semaphore_mem>>)
      %dma_wait3A = arith.constant 0 : i32
      %dma_wait3A_46 = tpu.memref_slice %arg10[%mul3A_2, %dma_wait3A] : memref<10240x16xf32, #tpu.memory_space<vmem_shared>> -> memref<640x16xf32, #tpu.memory_space<vmem_shared>>
      tpu.wait_dma2 semaphore(%run_scoped3A : memref<!tpu.dma_semaphore, #tpu.memory_space<semaphore_mem>>) src(%arg5 : memref<640x16xf32, #tpu.memory_space<hbm>>) dst(%dma_wait3A_46 : memref<640x16xf32, #tpu.memory_space<vmem_shared>>)
      tpu.yield
    }) : () -> ()
    %mul3A_3 = arith.constant 10000 : i32
    %mul3A_4 = arith.muli %add3A, %mul3A_3 : i32
    "tpu.region"() ({
      %run_scoped3A = tpu.sem_alloc : memref<!tpu.dma_semaphore, #tpu.memory_space<semaphore_mem>>
      %dma_start3A = tpu.memref_slice %arg3[%mul3A_4] : memref<320000xi32, #tpu.memory_space<hbm>> -> memref<10000xi32, #tpu.memory_space<hbm>>
      %dma_start3A_45 = tpu.memref_slice %arg3[%mul3A_4] : memref<320000xi32, #tpu.memory_space<hbm>> -> memref<10000xi32, #tpu.memory_space<hbm>>
      tpu.enqueue_dma source(%dma_start3A_45 : memref<10000xi32, #tpu.memory_space<hbm>>) target(%arg7 : memref<10000xi32, #tpu.memory_space<vmem>>) target_semaphore(%run_scoped3A : memref<!tpu.dma_semaphore, #tpu.memory_space<semaphore_mem>>)
      %dma_wait3A = tpu.memref_slice %arg3[%mul3A_4] : memref<320000xi32, #tpu.memory_space<hbm>> -> memref<10000xi32, #tpu.memory_space<hbm>>
      %dma_wait3A_46 = tpu.memref_slice %arg3[%mul3A_4] : memref<320000xi32, #tpu.memory_space<hbm>> -> memref<10000xi32, #tpu.memory_space<hbm>>
      tpu.wait_dma2 semaphore(%run_scoped3A : memref<!tpu.dma_semaphore, #tpu.memory_space<semaphore_mem>>) src(%dma_wait3A_46 : memref<10000xi32, #tpu.memory_space<hbm>>) dst(%arg7 : memref<10000xi32, #tpu.memory_space<vmem>>)
      tpu.yield
    }) : () -> ()
    %mul3A_5 = arith.constant 10000 : i32
    %mul3A_6 = arith.muli %add3A, %mul3A_5 : i32
    "tpu.region"() ({
      %run_scoped3A = tpu.sem_alloc : memref<!tpu.dma_semaphore, #tpu.memory_space<semaphore_mem>>
      %dma_start3A = tpu.memref_slice %arg4[%mul3A_6] : memref<320000xi32, #tpu.memory_space<hbm>> -> memref<10000xi32, #tpu.memory_space<hbm>>
      %dma_start3A_45 = tpu.memref_slice %arg4[%mul3A_6] : memref<320000xi32, #tpu.memory_space<hbm>> -> memref<10000xi32, #tpu.memory_space<hbm>>
      tpu.enqueue_dma source(%dma_start3A_45 : memref<10000xi32, #tpu.memory_space<hbm>>) target(%arg8 : memref<10000xi32, #tpu.memory_space<vmem>>) target_semaphore(%run_scoped3A : memref<!tpu.dma_semaphore, #tpu.memory_space<semaphore_mem>>)
      %dma_wait3A = tpu.memref_slice %arg4[%mul3A_6] : memref<320000xi32, #tpu.memory_space<hbm>> -> memref<10000xi32, #tpu.memory_space<hbm>>
      %dma_wait3A_46 = tpu.memref_slice %arg4[%mul3A_6] : memref<320000xi32, #tpu.memory_space<hbm>> -> memref<10000xi32, #tpu.memory_space<hbm>>
      tpu.wait_dma2 semaphore(%run_scoped3A : memref<!tpu.dma_semaphore, #tpu.memory_space<semaphore_mem>>) src(%dma_wait3A_46 : memref<10000xi32, #tpu.memory_space<hbm>>) dst(%arg8 : memref<10000xi32, #tpu.memory_space<vmem>>)
      tpu.yield
    }) : () -> ()
    %mul3A_7 = arith.constant 640 : i32
    %mul3A_8 = arith.muli %arg1, %mul3A_7 : i32
    %mul3A_9 = arith.constant 640 : i32
    %mul3A_10 = arith.muli %arg1, %mul3A_9 : i32
    "tpu.region"() ({
      %run_scoped3A = tpu.sem_alloc : memref<!tpu.dma_semaphore, #tpu.memory_space<semaphore_mem>>
      %dma_start3A = arith.constant 0 : i32
      %dma_start3A_45 = tpu.memref_slice %arg11[%mul3A_10, %dma_start3A] : memref<10240x16xf32, #tpu.memory_space<vmem_shared>> -> memref<640x16xf32, #tpu.memory_space<vmem_shared>>
      %dma_start3A_46 = arith.constant 0 : i32
      %dma_start3A_47 = tpu.memref_slice %arg2[%mul3A_8, %dma_start3A_46] : memref<10240x16xf32, #tpu.memory_space<hbm>> -> memref<640x16xf32, #tpu.memory_space<hbm>>
      tpu.enqueue_dma source(%dma_start3A_47 : memref<640x16xf32, #tpu.memory_space<hbm>>) target(%dma_start3A_45 : memref<640x16xf32, #tpu.memory_space<vmem_shared>>) target_semaphore(%run_scoped3A : memref<!tpu.dma_semaphore, #tpu.memory_space<semaphore_mem>>)
      %dma_wait3A = arith.constant 0 : i32
      %dma_wait3A_48 = tpu.memref_slice %arg11[%mul3A_10, %dma_wait3A] : memref<10240x16xf32, #tpu.memory_space<vmem_shared>> -> memref<640x16xf32, #tpu.memory_space<vmem_shared>>
      %dma_wait3A_49 = arith.constant 0 : i32
      %dma_wait3A_50 = tpu.memref_slice %arg2[%mul3A_8, %dma_wait3A_49] : memref<10240x16xf32, #tpu.memory_space<hbm>> -> memref<640x16xf32, #tpu.memory_space<hbm>>
      tpu.wait_dma2 semaphore(%run_scoped3A : memref<!tpu.dma_semaphore, #tpu.memory_space<semaphore_mem>>) src(%dma_wait3A_50 : memref<640x16xf32, #tpu.memory_space<hbm>>) dst(%dma_wait3A_48 : memref<640x16xf32, #tpu.memory_space<vmem_shared>>)
      tpu.yield
    }) : () -> ()
    %barrier3A = arith.constant 0 : index
    tpu.barrier barrier_id(%barrier3A)
    %scan3A = arith.constant 0 : i32
    %scan3A_11 = arith.constant 0 : i32
    %scan3A_12 = arith.constant 16 : i32
    %scan3A_13 = arith.addi %scan3A_11, %scan3A_12 : i32
    %scan3A_14 = arith.constant 1 : i32
    scf.for %scan3A_45 = %scan3A_11 to %scan3A_13 step %scan3A_14  : i32 {
      %mul3A_46 = arith.constant 80 : i32
      %mul3A_47 = arith.muli %scan3A_45, %mul3A_46 : i32
      %jit3A = arith.constant 16 : i32
      %eq3A = arith.constant 0 : i32
      %eq3A_48 = arith.cmpi eq, %jit3A, %eq3A : i32
      %jit3A_49 = arith.constant 1 : i32
      %select_n3A = arith.select %eq3A_48, %jit3A_49, %jit3A : i32
      %rem3A = arith.remsi %scan3A_45, %select_n3A : i32
      %ne3A = arith.constant 0 : i32
      %ne3A_50 = arith.cmpi ne, %rem3A, %ne3A : i32
      %lt3A = arith.constant 0 : i32
      %lt3A_51 = arith.cmpi slt, %rem3A, %lt3A : i32
      %lt3A_52 = arith.constant 0 : i32
      %lt3A_53 = arith.cmpi slt, %select_n3A, %lt3A_52 : i32
      %ne3A_54 = arith.xori %lt3A_51, %lt3A_53 : i1
      %and3A = arith.andi %ne3A_54, %ne3A_50 : i1
      %add3A_55 = arith.addi %rem3A, %select_n3A : i32
      %select_n3A_56 = arith.select %and3A, %add3A_55, %rem3A : i32
      %dma_start3A = arith.constant 0 : i32
      %dma_start3A_57 = arith.constant 0 : i32
      %dma_start3A_58 = tpu.memref_slice %arg9[%select_n3A_56, %dma_start3A, %dma_start3A_57] : memref<16x80x16xf32, #tpu.memory_space<vmem>> -> memref<1x80x16xf32, #tpu.memory_space<vmem>>
      %dma_start3A_59 = tpu.memref_squeeze %dma_start3A_58 : memref<1x80x16xf32, #tpu.memory_space<vmem>> -> memref<80x16xf32, #tpu.memory_space<vmem>>
      %dma_start3A_60 = tpu.memref_slice %arg7[%mul3A_47] : memref<10000xi32, #tpu.memory_space<vmem>> -> memref<80xi32, #tpu.memory_space<vmem>>
      %dma_start3A_61 = arith.constant 0 : i32
      %dma_start3A_62 = arith.constant 0 : i32
      %dma_start3A_63 = tpu.memref_slice %arg11[%dma_start3A_61, %dma_start3A_62] : memref<10240x16xf32, #tpu.memory_space<vmem_shared>> -> memref<10240x16xf32, #tpu.memory_space<vmem_shared>>
      tpu.enqueue_indirect_dma source(%dma_start3A_63 : memref<10240x16xf32, #tpu.memory_space<vmem_shared>>) target(%dma_start3A_59 : memref<80x16xf32, #tpu.memory_space<vmem>>) offsets(%dma_start3A_60 : memref<80xi32, #tpu.memory_space<vmem>>) semaphore(%arg12 : memref<!tpu.dma_semaphore, #tpu.memory_space<semaphore_mem>>)
    }
    %scan3A_15 = arith.constant 16 : i32
    %scan3A_16 = arith.constant 0 : i32
    %scan3A_17 = arith.constant 0 : i32
    %scan3A_18 = arith.constant 8 : i32
    %scan3A_19 = arith.addi %scan3A_17, %scan3A_18 : i32
    %scan3A_20 = arith.constant 1 : i32
    scf.for %scan3A_45 = %scan3A_17 to %scan3A_19 step %scan3A_20  : i32 {
      %dma_wait3A = arith.constant 0 : i32
      %dma_wait3A_46 = arith.constant 0 : i32
      %dma_wait3A_47 = arith.constant 0 : i32
      %dma_wait3A_48 = tpu.memref_slice %arg9[%dma_wait3A, %dma_wait3A_46, %dma_wait3A_47] : memref<16x80x16xf32, #tpu.memory_space<vmem>> -> memref<1x80x16xf32, #tpu.memory_space<vmem>>
      %dma_wait3A_49 = tpu.memref_squeeze %dma_wait3A_48 : memref<1x80x16xf32, #tpu.memory_space<vmem>> -> memref<80x16xf32, #tpu.memory_space<vmem>>
      %dma_wait3A_50 = arith.constant 0 : i32
      %dma_wait3A_51 = arith.constant 0 : i32
      %dma_wait3A_52 = tpu.memref_slice %arg2[%dma_wait3A_50, %dma_wait3A_51] : memref<10240x16xf32, #tpu.memory_space<hbm>> -> memref<80x16xf32, #tpu.memory_space<hbm>>
      %dma_wait3A_53 = arith.constant 0 : i32
      %dma_wait3A_54 = arith.constant 0 : i32
      %dma_wait3A_55 = tpu.memref_slice %arg9[%dma_wait3A, %dma_wait3A_53, %dma_wait3A_54] : memref<16x80x16xf32, #tpu.memory_space<vmem>> -> memref<1x80x16xf32, #tpu.memory_space<vmem>>
      %dma_wait3A_56 = tpu.memref_squeeze %dma_wait3A_55 : memref<1x80x16xf32, #tpu.memory_space<vmem>> -> memref<80x16xf32, #tpu.memory_space<vmem>>
      %dma_wait3A_57 = arith.constant 0 : i32
      %dma_wait3A_58 = arith.constant 0 : i32
      %dma_wait3A_59 = tpu.memref_slice %arg2[%dma_wait3A_57, %dma_wait3A_58] : memref<10240x16xf32, #tpu.memory_space<hbm>> -> memref<80x16xf32, #tpu.memory_space<hbm>>
      tpu.wait_dma2 semaphore(%arg12 : memref<!tpu.dma_semaphore, #tpu.memory_space<semaphore_mem>>) src(%dma_wait3A_59 : memref<80x16xf32, #tpu.memory_space<hbm>>) dst(%dma_wait3A_56 : memref<80x16xf32, #tpu.memory_space<vmem>>)
      %mul3A_60 = arith.constant 80 : i32
      %mul3A_61 = arith.muli %scan3A_45, %mul3A_60 : i32
      %jit3A = arith.constant 16 : i32
      %eq3A = arith.constant 0 : i32
      %eq3A_62 = arith.cmpi eq, %jit3A, %eq3A : i32
      %jit3A_63 = arith.constant 1 : i32
      %select_n3A = arith.select %eq3A_62, %jit3A_63, %jit3A : i32
      %rem3A = arith.remsi %scan3A_45, %select_n3A : i32
      %ne3A = arith.constant 0 : i32
      %ne3A_64 = arith.cmpi ne, %rem3A, %ne3A : i32
      %lt3A = arith.constant 0 : i32
      %lt3A_65 = arith.cmpi slt, %rem3A, %lt3A : i32
      %lt3A_66 = arith.constant 0 : i32
      %lt3A_67 = arith.cmpi slt, %select_n3A, %lt3A_66 : i32
      %ne3A_68 = arith.xori %lt3A_65, %lt3A_67 : i1
      %and3A = arith.andi %ne3A_68, %ne3A_64 : i1
      %add3A_69 = arith.addi %rem3A, %select_n3A : i32
      %select_n3A_70 = arith.select %and3A, %add3A_69, %rem3A : i32
      %dma_start3A = arith.constant 0 : i32
      %dma_start3A_71 = arith.constant 0 : i32
      %dma_start3A_72 = tpu.memref_slice %arg9[%select_n3A_70, %dma_start3A, %dma_start3A_71] : memref<16x80x16xf32, #tpu.memory_space<vmem>> -> memref<1x80x16xf32, #tpu.memory_space<vmem>>
      %dma_start3A_73 = tpu.memref_squeeze %dma_start3A_72 : memref<1x80x16xf32, #tpu.memory_space<vmem>> -> memref<80x16xf32, #tpu.memory_space<vmem>>
      %dma_start3A_74 = tpu.memref_slice %arg8[%mul3A_61] : memref<10000xi32, #tpu.memory_space<vmem>> -> memref<80xi32, #tpu.memory_space<vmem>>
      %dma_start3A_75 = arith.constant 0 : i32
      %dma_start3A_76 = arith.constant 0 : i32
      %dma_start3A_77 = tpu.memref_slice %arg10[%dma_start3A_75, %dma_start3A_76] : memref<10240x16xf32, #tpu.memory_space<vmem_shared>> -> memref<10240x16xf32, #tpu.memory_space<vmem_shared>>
      tpu.enqueue_indirect_dma source(%dma_start3A_73 : memref<80x16xf32, #tpu.memory_space<vmem>>) target(%dma_start3A_77 : memref<10240x16xf32, #tpu.memory_space<vmem_shared>>) offsets(%dma_start3A_74 : memref<80xi32, #tpu.memory_space<vmem>>) semaphore(%arg13 : memref<!tpu.dma_semaphore, #tpu.memory_space<semaphore_mem>>) {add = true}
    }
    %scan3A_21 = arith.constant 8 : i32
    %scan3A_22 = arith.constant 0 : i32
    %scan3A_23 = arith.constant 8 : i32
    %scan3A_24 = arith.constant 109 : i32
    %scan3A_25 = arith.addi %scan3A_23, %scan3A_24 : i32
    %scan3A_26 = arith.constant 1 : i32
    scf.for %scan3A_45 = %scan3A_23 to %scan3A_25 step %scan3A_26  : i32 {
      %dma_wait3A = arith.constant 0 : i32
      %dma_wait3A_46 = arith.constant 0 : i32
      %dma_wait3A_47 = arith.constant 0 : i32
      %dma_wait3A_48 = tpu.memref_slice %arg9[%dma_wait3A, %dma_wait3A_46, %dma_wait3A_47] : memref<16x80x16xf32, #tpu.memory_space<vmem>> -> memref<1x80x16xf32, #tpu.memory_space<vmem>>
      %dma_wait3A_49 = tpu.memref_squeeze %dma_wait3A_48 : memref<1x80x16xf32, #tpu.memory_space<vmem>> -> memref<80x16xf32, #tpu.memory_space<vmem>>
      %dma_wait3A_50 = arith.constant 0 : i32
      %dma_wait3A_51 = arith.constant 0 : i32
      %dma_wait3A_52 = tpu.memref_slice %arg2[%dma_wait3A_50, %dma_wait3A_51] : memref<10240x16xf32, #tpu.memory_space<hbm>> -> memref<80x16xf32, #tpu.memory_space<hbm>>
      %dma_wait3A_53 = arith.constant 0 : i32
      %dma_wait3A_54 = arith.constant 0 : i32
      %dma_wait3A_55 = tpu.memref_slice %arg9[%dma_wait3A, %dma_wait3A_53, %dma_wait3A_54] : memref<16x80x16xf32, #tpu.memory_space<vmem>> -> memref<1x80x16xf32, #tpu.memory_space<vmem>>
      %dma_wait3A_56 = tpu.memref_squeeze %dma_wait3A_55 : memref<1x80x16xf32, #tpu.memory_space<vmem>> -> memref<80x16xf32, #tpu.memory_space<vmem>>
      %dma_wait3A_57 = arith.constant 0 : i32
      %dma_wait3A_58 = arith.constant 0 : i32
      %dma_wait3A_59 = tpu.memref_slice %arg2[%dma_wait3A_57, %dma_wait3A_58] : memref<10240x16xf32, #tpu.memory_space<hbm>> -> memref<80x16xf32, #tpu.memory_space<hbm>>
      tpu.wait_dma2 semaphore(%arg12 : memref<!tpu.dma_semaphore, #tpu.memory_space<semaphore_mem>>) src(%dma_wait3A_59 : memref<80x16xf32, #tpu.memory_space<hbm>>) dst(%dma_wait3A_56 : memref<80x16xf32, #tpu.memory_space<vmem>>)
      %mul3A_60 = arith.constant 80 : i32
      %mul3A_61 = arith.muli %scan3A_45, %mul3A_60 : i32
      %jit3A = arith.constant 16 : i32
      %eq3A = arith.constant 0 : i32
      %eq3A_62 = arith.cmpi eq, %jit3A, %eq3A : i32
      %jit3A_63 = arith.constant 1 : i32
      %select_n3A = arith.select %eq3A_62, %jit3A_63, %jit3A : i32
      %rem3A = arith.remsi %scan3A_45, %select_n3A : i32
      %ne3A = arith.constant 0 : i32
      %ne3A_64 = arith.cmpi ne, %rem3A, %ne3A : i32
      %lt3A = arith.constant 0 : i32
      %lt3A_65 = arith.cmpi slt, %rem3A, %lt3A : i32
      %lt3A_66 = arith.constant 0 : i32
      %lt3A_67 = arith.cmpi slt, %select_n3A, %lt3A_66 : i32
      %ne3A_68 = arith.xori %lt3A_65, %lt3A_67 : i1
      %and3A = arith.andi %ne3A_68, %ne3A_64 : i1
      %add3A_69 = arith.addi %rem3A, %select_n3A : i32
      %select_n3A_70 = arith.select %and3A, %add3A_69, %rem3A : i32
      %dma_start3A = arith.constant 0 : i32
      %dma_start3A_71 = arith.constant 0 : i32
      %dma_start3A_72 = tpu.memref_slice %arg9[%select_n3A_70, %dma_start3A, %dma_start3A_71] : memref<16x80x16xf32, #tpu.memory_space<vmem>> -> memref<1x80x16xf32, #tpu.memory_space<vmem>>
      %dma_start3A_73 = tpu.memref_squeeze %dma_start3A_72 : memref<1x80x16xf32, #tpu.memory_space<vmem>> -> memref<80x16xf32, #tpu.memory_space<vmem>>
      %dma_start3A_74 = tpu.memref_slice %arg8[%mul3A_61] : memref<10000xi32, #tpu.memory_space<vmem>> -> memref<80xi32, #tpu.memory_space<vmem>>
      %dma_start3A_75 = arith.constant 0 : i32
      %dma_start3A_76 = arith.constant 0 : i32
      %dma_start3A_77 = tpu.memref_slice %arg10[%dma_start3A_75, %dma_start3A_76] : memref<10240x16xf32, #tpu.memory_space<vmem_shared>> -> memref<10240x16xf32, #tpu.memory_space<vmem_shared>>
      tpu.enqueue_indirect_dma source(%dma_start3A_73 : memref<80x16xf32, #tpu.memory_space<vmem>>) target(%dma_start3A_77 : memref<10240x16xf32, #tpu.memory_space<vmem_shared>>) offsets(%dma_start3A_74 : memref<80xi32, #tpu.memory_space<vmem>>) semaphore(%arg13 : memref<!tpu.dma_semaphore, #tpu.memory_space<semaphore_mem>>) {add = true}
      %dma_wait3A_78 = arith.constant 0 : i32
      %dma_wait3A_79 = arith.constant 0 : i32
      %dma_wait3A_80 = arith.constant 0 : i32
      %dma_wait3A_81 = tpu.memref_slice %arg9[%dma_wait3A_78, %dma_wait3A_79, %dma_wait3A_80] : memref<16x80x16xf32, #tpu.memory_space<vmem>> -> memref<1x80x16xf32, #tpu.memory_space<vmem>>
      %dma_wait3A_82 = tpu.memref_squeeze %dma_wait3A_81 : memref<1x80x16xf32, #tpu.memory_space<vmem>> -> memref<80x16xf32, #tpu.memory_space<vmem>>
      %dma_wait3A_83 = arith.constant 0 : i32
      %dma_wait3A_84 = arith.constant 0 : i32
      %dma_wait3A_85 = tpu.memref_slice %arg2[%dma_wait3A_83, %dma_wait3A_84] : memref<10240x16xf32, #tpu.memory_space<hbm>> -> memref<80x16xf32, #tpu.memory_space<hbm>>
      %dma_wait3A_86 = arith.constant 0 : i32
      %dma_wait3A_87 = arith.constant 0 : i32
      %dma_wait3A_88 = tpu.memref_slice %arg9[%dma_wait3A_78, %dma_wait3A_86, %dma_wait3A_87] : memref<16x80x16xf32, #tpu.memory_space<vmem>> -> memref<1x80x16xf32, #tpu.memory_space<vmem>>
      %dma_wait3A_89 = tpu.memref_squeeze %dma_wait3A_88 : memref<1x80x16xf32, #tpu.memory_space<vmem>> -> memref<80x16xf32, #tpu.memory_space<vmem>>
      %dma_wait3A_90 = arith.constant 0 : i32
      %dma_wait3A_91 = arith.constant 0 : i32
      %dma_wait3A_92 = tpu.memref_slice %arg2[%dma_wait3A_90, %dma_wait3A_91] : memref<10240x16xf32, #tpu.memory_space<hbm>> -> memref<80x16xf32, #tpu.memory_space<hbm>>
      tpu.wait_dma2 semaphore(%arg13 : memref<!tpu.dma_semaphore, #tpu.memory_space<semaphore_mem>>) src(%dma_wait3A_92 : memref<80x16xf32, #tpu.memory_space<hbm>>) dst(%dma_wait3A_89 : memref<80x16xf32, #tpu.memory_space<vmem>>)
      %add3A_93 = arith.constant 16 : i32
      %add3A_94 = arith.addi %scan3A_45, %add3A_93 : i32
      %sub3A = arith.constant 8 : i32
      %sub3A_95 = arith.subi %add3A_94, %sub3A : i32
      %mul3A_96 = arith.constant 80 : i32
      %mul3A_97 = arith.muli %sub3A_95, %mul3A_96 : i32
      %jit3A_98 = arith.constant 16 : i32
      %eq3A_99 = arith.constant 0 : i32
      %eq3A_100 = arith.cmpi eq, %jit3A_98, %eq3A_99 : i32
      %jit3A_101 = arith.constant 1 : i32
      %select_n3A_102 = arith.select %eq3A_100, %jit3A_101, %jit3A_98 : i32
      %rem3A_103 = arith.remsi %sub3A_95, %select_n3A_102 : i32
      %ne3A_104 = arith.constant 0 : i32
      %ne3A_105 = arith.cmpi ne, %rem3A_103, %ne3A_104 : i32
      %lt3A_106 = arith.constant 0 : i32
      %lt3A_107 = arith.cmpi slt, %rem3A_103, %lt3A_106 : i32
      %lt3A_108 = arith.constant 0 : i32
      %lt3A_109 = arith.cmpi slt, %select_n3A_102, %lt3A_108 : i32
      %ne3A_110 = arith.xori %lt3A_107, %lt3A_109 : i1
      %and3A_111 = arith.andi %ne3A_110, %ne3A_105 : i1
      %add3A_112 = arith.addi %rem3A_103, %select_n3A_102 : i32
      %select_n3A_113 = arith.select %and3A_111, %add3A_112, %rem3A_103 : i32
      %dma_start3A_114 = arith.constant 0 : i32
      %dma_start3A_115 = arith.constant 0 : i32
      %dma_start3A_116 = tpu.memref_slice %arg9[%select_n3A_113, %dma_start3A_114, %dma_start3A_115] : memref<16x80x16xf32, #tpu.memory_space<vmem>> -> memref<1x80x16xf32, #tpu.memory_space<vmem>>
      %dma_start3A_117 = tpu.memref_squeeze %dma_start3A_116 : memref<1x80x16xf32, #tpu.memory_space<vmem>> -> memref<80x16xf32, #tpu.memory_space<vmem>>
      %dma_start3A_118 = tpu.memref_slice %arg7[%mul3A_97] : memref<10000xi32, #tpu.memory_space<vmem>> -> memref<80xi32, #tpu.memory_space<vmem>>
      %dma_start3A_119 = arith.constant 0 : i32
      %dma_start3A_120 = arith.constant 0 : i32
      %dma_start3A_121 = tpu.memref_slice %arg11[%dma_start3A_119, %dma_start3A_120] : memref<10240x16xf32, #tpu.memory_space<vmem_shared>> -> memref<10240x16xf32, #tpu.memory_space<vmem_shared>>
      tpu.enqueue_indirect_dma source(%dma_start3A_121 : memref<10240x16xf32, #tpu.memory_space<vmem_shared>>) target(%dma_start3A_117 : memref<80x16xf32, #tpu.memory_space<vmem>>) offsets(%dma_start3A_118 : memref<80xi32, #tpu.memory_space<vmem>>) semaphore(%arg12 : memref<!tpu.dma_semaphore, #tpu.memory_space<semaphore_mem>>)
    }
    %scan3A_27 = arith.constant 109 : i32
    %scan3A_28 = arith.constant 0 : i32
    %scan3A_29 = arith.constant 117 : i32
    %scan3A_30 = arith.constant 8 : i32
    %scan3A_31 = arith.addi %scan3A_29, %scan3A_30 : i32
    %scan3A_32 = arith.constant 1 : i32
    scf.for %scan3A_45 = %scan3A_29 to %scan3A_31 step %scan3A_32  : i32 {
      %dma_wait3A = arith.constant 0 : i32
      %dma_wait3A_46 = arith.constant 0 : i32
      %dma_wait3A_47 = arith.constant 0 : i32
      %dma_wait3A_48 = tpu.memref_slice %arg9[%dma_wait3A, %dma_wait3A_46, %dma_wait3A_47] : memref<16x80x16xf32, #tpu.memory_space<vmem>> -> memref<1x80x16xf32, #tpu.memory_space<vmem>>
      %dma_wait3A_49 = tpu.memref_squeeze %dma_wait3A_48 : memref<1x80x16xf32, #tpu.memory_space<vmem>> -> memref<80x16xf32, #tpu.memory_space<vmem>>
      %dma_wait3A_50 = arith.constant 0 : i32
      %dma_wait3A_51 = arith.constant 0 : i32
      %dma_wait3A_52 = tpu.memref_slice %arg2[%dma_wait3A_50, %dma_wait3A_51] : memref<10240x16xf32, #tpu.memory_space<hbm>> -> memref<80x16xf32, #tpu.memory_space<hbm>>
      %dma_wait3A_53 = arith.constant 0 : i32
      %dma_wait3A_54 = arith.constant 0 : i32
      %dma_wait3A_55 = tpu.memref_slice %arg9[%dma_wait3A, %dma_wait3A_53, %dma_wait3A_54] : memref<16x80x16xf32, #tpu.memory_space<vmem>> -> memref<1x80x16xf32, #tpu.memory_space<vmem>>
      %dma_wait3A_56 = tpu.memref_squeeze %dma_wait3A_55 : memref<1x80x16xf32, #tpu.memory_space<vmem>> -> memref<80x16xf32, #tpu.memory_space<vmem>>
      %dma_wait3A_57 = arith.constant 0 : i32
      %dma_wait3A_58 = arith.constant 0 : i32
      %dma_wait3A_59 = tpu.memref_slice %arg2[%dma_wait3A_57, %dma_wait3A_58] : memref<10240x16xf32, #tpu.memory_space<hbm>> -> memref<80x16xf32, #tpu.memory_space<hbm>>
      tpu.wait_dma2 semaphore(%arg12 : memref<!tpu.dma_semaphore, #tpu.memory_space<semaphore_mem>>) src(%dma_wait3A_59 : memref<80x16xf32, #tpu.memory_space<hbm>>) dst(%dma_wait3A_56 : memref<80x16xf32, #tpu.memory_space<vmem>>)
      %mul3A_60 = arith.constant 80 : i32
      %mul3A_61 = arith.muli %scan3A_45, %mul3A_60 : i32
      %jit3A = arith.constant 16 : i32
      %eq3A = arith.constant 0 : i32
      %eq3A_62 = arith.cmpi eq, %jit3A, %eq3A : i32
      %jit3A_63 = arith.constant 1 : i32
      %select_n3A = arith.select %eq3A_62, %jit3A_63, %jit3A : i32
      %rem3A = arith.remsi %scan3A_45, %select_n3A : i32
      %ne3A = arith.constant 0 : i32
      %ne3A_64 = arith.cmpi ne, %rem3A, %ne3A : i32
      %lt3A = arith.constant 0 : i32
      %lt3A_65 = arith.cmpi slt, %rem3A, %lt3A : i32
      %lt3A_66 = arith.constant 0 : i32
      %lt3A_67 = arith.cmpi slt, %select_n3A, %lt3A_66 : i32
      %ne3A_68 = arith.xori %lt3A_65, %lt3A_67 : i1
      %and3A = arith.andi %ne3A_68, %ne3A_64 : i1
      %add3A_69 = arith.addi %rem3A, %select_n3A : i32
      %select_n3A_70 = arith.select %and3A, %add3A_69, %rem3A : i32
      %dma_start3A = arith.constant 0 : i32
      %dma_start3A_71 = arith.constant 0 : i32
      %dma_start3A_72 = tpu.memref_slice %arg9[%select_n3A_70, %dma_start3A, %dma_start3A_71] : memref<16x80x16xf32, #tpu.memory_space<vmem>> -> memref<1x80x16xf32, #tpu.memory_space<vmem>>
      %dma_start3A_73 = tpu.memref_squeeze %dma_start3A_72 : memref<1x80x16xf32, #tpu.memory_space<vmem>> -> memref<80x16xf32, #tpu.memory_space<vmem>>
      %dma_start3A_74 = tpu.memref_slice %arg8[%mul3A_61] : memref<10000xi32, #tpu.memory_space<vmem>> -> memref<80xi32, #tpu.memory_space<vmem>>
      %dma_start3A_75 = arith.constant 0 : i32
      %dma_start3A_76 = arith.constant 0 : i32
      %dma_start3A_77 = tpu.memref_slice %arg10[%dma_start3A_75, %dma_start3A_76] : memref<10240x16xf32, #tpu.memory_space<vmem_shared>> -> memref<10240x16xf32, #tpu.memory_space<vmem_shared>>
      tpu.enqueue_indirect_dma source(%dma_start3A_73 : memref<80x16xf32, #tpu.memory_space<vmem>>) target(%dma_start3A_77 : memref<10240x16xf32, #tpu.memory_space<vmem_shared>>) offsets(%dma_start3A_74 : memref<80xi32, #tpu.memory_space<vmem>>) semaphore(%arg13 : memref<!tpu.dma_semaphore, #tpu.memory_space<semaphore_mem>>) {add = true}
      %dma_wait3A_78 = arith.constant 0 : i32
      %dma_wait3A_79 = arith.constant 0 : i32
      %dma_wait3A_80 = arith.constant 0 : i32
      %dma_wait3A_81 = tpu.memref_slice %arg9[%dma_wait3A_78, %dma_wait3A_79, %dma_wait3A_80] : memref<16x80x16xf32, #tpu.memory_space<vmem>> -> memref<1x80x16xf32, #tpu.memory_space<vmem>>
      %dma_wait3A_82 = tpu.memref_squeeze %dma_wait3A_81 : memref<1x80x16xf32, #tpu.memory_space<vmem>> -> memref<80x16xf32, #tpu.memory_space<vmem>>
      %dma_wait3A_83 = arith.constant 0 : i32
      %dma_wait3A_84 = arith.constant 0 : i32
      %dma_wait3A_85 = tpu.memref_slice %arg2[%dma_wait3A_83, %dma_wait3A_84] : memref<10240x16xf32, #tpu.memory_space<hbm>> -> memref<80x16xf32, #tpu.memory_space<hbm>>
      %dma_wait3A_86 = arith.constant 0 : i32
      %dma_wait3A_87 = arith.constant 0 : i32
      %dma_wait3A_88 = tpu.memref_slice %arg9[%dma_wait3A_78, %dma_wait3A_86, %dma_wait3A_87] : memref<16x80x16xf32, #tpu.memory_space<vmem>> -> memref<1x80x16xf32, #tpu.memory_space<vmem>>
      %dma_wait3A_89 = tpu.memref_squeeze %dma_wait3A_88 : memref<1x80x16xf32, #tpu.memory_space<vmem>> -> memref<80x16xf32, #tpu.memory_space<vmem>>
      %dma_wait3A_90 = arith.constant 0 : i32
      %dma_wait3A_91 = arith.constant 0 : i32
      %dma_wait3A_92 = tpu.memref_slice %arg2[%dma_wait3A_90, %dma_wait3A_91] : memref<10240x16xf32, #tpu.memory_space<hbm>> -> memref<80x16xf32, #tpu.memory_space<hbm>>
      tpu.wait_dma2 semaphore(%arg13 : memref<!tpu.dma_semaphore, #tpu.memory_space<semaphore_mem>>) src(%dma_wait3A_92 : memref<80x16xf32, #tpu.memory_space<hbm>>) dst(%dma_wait3A_89 : memref<80x16xf32, #tpu.memory_space<vmem>>)
    }
    %scan3A_33 = arith.constant 8 : i32
    %scan3A_34 = arith.constant 0 : i32
    %scan3A_35 = arith.constant 0 : i32
    %scan3A_36 = arith.constant 8 : i32
    %scan3A_37 = arith.addi %scan3A_35, %scan3A_36 : i32
    %scan3A_38 = arith.constant 1 : i32
    scf.for %scan3A_45 = %scan3A_35 to %scan3A_37 step %scan3A_38  : i32 {
      %dma_wait3A = arith.constant 0 : i32
      %dma_wait3A_46 = arith.constant 0 : i32
      %dma_wait3A_47 = arith.constant 0 : i32
      %dma_wait3A_48 = tpu.memref_slice %arg9[%dma_wait3A, %dma_wait3A_46, %dma_wait3A_47] : memref<16x80x16xf32, #tpu.memory_space<vmem>> -> memref<1x80x16xf32, #tpu.memory_space<vmem>>
      %dma_wait3A_49 = tpu.memref_squeeze %dma_wait3A_48 : memref<1x80x16xf32, #tpu.memory_space<vmem>> -> memref<80x16xf32, #tpu.memory_space<vmem>>
      %dma_wait3A_50 = arith.constant 0 : i32
      %dma_wait3A_51 = arith.constant 0 : i32
      %dma_wait3A_52 = tpu.memref_slice %arg2[%dma_wait3A_50, %dma_wait3A_51] : memref<10240x16xf32, #tpu.memory_space<hbm>> -> memref<80x16xf32, #tpu.memory_space<hbm>>
      %dma_wait3A_53 = arith.constant 0 : i32
      %dma_wait3A_54 = arith.constant 0 : i32
      %dma_wait3A_55 = tpu.memref_slice %arg9[%dma_wait3A, %dma_wait3A_53, %dma_wait3A_54] : memref<16x80x16xf32, #tpu.memory_space<vmem>> -> memref<1x80x16xf32, #tpu.memory_space<vmem>>
      %dma_wait3A_56 = tpu.memref_squeeze %dma_wait3A_55 : memref<1x80x16xf32, #tpu.memory_space<vmem>> -> memref<80x16xf32, #tpu.memory_space<vmem>>
      %dma_wait3A_57 = arith.constant 0 : i32
      %dma_wait3A_58 = arith.constant 0 : i32
      %dma_wait3A_59 = tpu.memref_slice %arg2[%dma_wait3A_57, %dma_wait3A_58] : memref<10240x16xf32, #tpu.memory_space<hbm>> -> memref<80x16xf32, #tpu.memory_space<hbm>>
      tpu.wait_dma2 semaphore(%arg13 : memref<!tpu.dma_semaphore, #tpu.memory_space<semaphore_mem>>) src(%dma_wait3A_59 : memref<80x16xf32, #tpu.memory_space<hbm>>) dst(%dma_wait3A_56 : memref<80x16xf32, #tpu.memory_space<vmem>>)
    }
    %scan3A_39 = arith.constant 8 : i32
    %barrier3A_40 = arith.constant 0 : index
    tpu.barrier barrier_id(%barrier3A_40)
    %mul3A_41 = arith.constant 640 : i32
    %mul3A_42 = arith.muli %arg1, %mul3A_41 : i32
    %mul3A_43 = arith.constant 640 : i32
    %mul3A_44 = arith.muli %arg1, %mul3A_43 : i32
    "tpu.region"() ({
      %run_scoped3A = tpu.sem_alloc : memref<!tpu.dma_semaphore, #tpu.memory_space<semaphore_mem>>
      %dma_start3A = arith.constant 0 : i32
      %dma_start3A_45 = arith.constant 0 : i32
      %dma_start3A_46 = tpu.memref_slice %arg6[%arg0, %dma_start3A, %dma_start3A_45] : memref<2x10240x16xf32, #tpu.memory_space<hbm>> -> memref<1x10240x16xf32, #tpu.memory_space<hbm>>
      %dma_start3A_47 = tpu.memref_squeeze %dma_start3A_46 : memref<1x10240x16xf32, #tpu.memory_space<hbm>> -> memref<10240x16xf32, #tpu.memory_space<hbm>>
      %dma_start3A_48 = arith.constant 0 : i32
      %dma_start3A_49 = tpu.memref_slice %dma_start3A_47[%mul3A_44, %dma_start3A_48] : memref<10240x16xf32, #tpu.memory_space<hbm>> -> memref<640x16xf32, #tpu.memory_space<hbm>>
      %dma_start3A_50 = arith.constant 0 : i32
      %dma_start3A_51 = tpu.memref_slice %arg10[%mul3A_42, %dma_start3A_50] : memref<10240x16xf32, #tpu.memory_space<vmem_shared>> -> memref<640x16xf32, #tpu.memory_space<vmem_shared>>
      tpu.enqueue_dma source(%dma_start3A_51 : memref<640x16xf32, #tpu.memory_space<vmem_shared>>) target(%dma_start3A_49 : memref<640x16xf32, #tpu.memory_space<hbm>>) target_semaphore(%run_scoped3A : memref<!tpu.dma_semaphore, #tpu.memory_space<semaphore_mem>>)
      %dma_wait3A = arith.constant 0 : i32
      %dma_wait3A_52 = arith.constant 0 : i32
      %dma_wait3A_53 = tpu.memref_slice %arg6[%arg0, %dma_wait3A, %dma_wait3A_52] : memref<2x10240x16xf32, #tpu.memory_space<hbm>> -> memref<1x10240x16xf32, #tpu.memory_space<hbm>>
      %dma_wait3A_54 = tpu.memref_squeeze %dma_wait3A_53 : memref<1x10240x16xf32, #tpu.memory_space<hbm>> -> memref<10240x16xf32, #tpu.memory_space<hbm>>
      %dma_wait3A_55 = arith.constant 0 : i32
      %dma_wait3A_56 = tpu.memref_slice %dma_wait3A_54[%mul3A_44, %dma_wait3A_55] : memref<10240x16xf32, #tpu.memory_space<hbm>> -> memref<640x16xf32, #tpu.memory_space<hbm>>
      %dma_wait3A_57 = arith.constant 0 : i32
      %dma_wait3A_58 = tpu.memref_slice %arg10[%mul3A_42, %dma_wait3A_57] : memref<10240x16xf32, #tpu.memory_space<vmem_shared>> -> memref<640x16xf32, #tpu.memory_space<vmem_shared>>
      tpu.wait_dma2 semaphore(%run_scoped3A : memref<!tpu.dma_semaphore, #tpu.memory_space<semaphore_mem>>) src(%dma_wait3A_58 : memref<640x16xf32, #tpu.memory_space<vmem_shared>>) dst(%dma_wait3A_56 : memref<640x16xf32, #tpu.memory_space<hbm>>)
      tpu.yield
    }) : () -> ()
    return
  }
}

#map = affine_map<(d0, d1) -> (0, 0)>
#map1 = affine_map<(d0, d1) -> (0)>
#map2 = affine_map<(d0, d1) -> (0, 0, 0)>
module attributes {stable_mosaic.version = 14 : i64} {
  func.func @_agg_body(%arg0: i32, %arg1: i32, %arg2: memref<10240x16xf32, #tpu.memory_space<hbm>>, %arg3: memref<320000xi32, #tpu.memory_space<hbm>>, %arg4: memref<320000xi32, #tpu.memory_space<hbm>>, %arg5: memref<640x16xf32, #tpu.memory_space<hbm>>, %arg6: memref<2x10240x16xf32, #tpu.memory_space<hbm>>, %arg7: memref<10000xi32, #tpu.memory_space<vmem>>, %arg8: memref<10000xi32, #tpu.memory_space<vmem>>, %arg9: memref<16x80x16xf32, #tpu.memory_space<vmem>>, %arg10: memref<10240x16xf32, #tpu.memory_space<vmem_shared>>, %arg11: memref<10240x16xf32, #tpu.memory_space<vmem_shared>>, %arg12: memref<!tpu.dma_semaphore, #tpu.memory_space<semaphore_mem>>, %arg13: memref<!tpu.dma_semaphore, #tpu.memory_space<semaphore_mem>>) attributes {dimension_semantics = [#tpu.dimension_semantics<core_parallel>, #tpu.dimension_semantics<subcore_parallel>], iteration_bounds = array<i64: 2, 16>, scalar_prefetch = 0 : i64, scratch_operands = 7 : i64, tpu.core_type = #tpu.core_type<sc_vector_subcore>, window_params = [{transform_indices = #map}, {transform_indices = #map1}, {transform_indices = #map1}, {transform_indices = #map}, {transform_indices = #map2}]} {
    %mul3A = arith.constant 2 : i32
    %mul3A_0 = arith.muli %arg1, %mul3A : i32
    %add3A = arith.addi %mul3A_0, %arg0 : i32
    %mul3A_1 = arith.constant 640 : i32
    %mul3A_2 = arith.muli %arg1, %mul3A_1 : i32
    "tpu.region"() ({
      %run_scoped3A = tpu.sem_alloc : memref<!tpu.dma_semaphore, #tpu.memory_space<semaphore_mem>>
      %dma_start3A = arith.constant 0 : i32
      %dma_start3A_45 = tpu.memref_slice %arg10[%mul3A_2, %dma_start3A] : memref<10240x16xf32, #tpu.memory_space<vmem_shared>> -> memref<640x16xf32, #tpu.memory_space<vmem_shared>>
      tpu.enqueue_dma source(%arg5 : memref<640x16xf32, #tpu.memory_space<hbm>>) target(%dma_start3A_45 : memref<640x16xf32, #tpu.memory_space<vmem_shared>>) target_semaphore(%run_scoped3A : memref<!tpu.dma_semaphore, #tpu.memory_space<semaphore_mem>>)
      %dma_wait3A = arith.constant 0 : i32
      %dma_wait3A_46 = tpu.memref_slice %arg10[%mul3A_2, %dma_wait3A] : memref<10240x16xf32, #tpu.memory_space<vmem_shared>> -> memref<640x16xf32, #tpu.memory_space<vmem_shared>>
      tpu.wait_dma2 semaphore(%run_scoped3A : memref<!tpu.dma_semaphore, #tpu.memory_space<semaphore_mem>>) src(%arg5 : memref<640x16xf32, #tpu.memory_space<hbm>>) dst(%dma_wait3A_46 : memref<640x16xf32, #tpu.memory_space<vmem_shared>>)
      tpu.yield
    }) : () -> ()
    %mul3A_3 = arith.constant 10000 : i32
    %mul3A_4 = arith.muli %add3A, %mul3A_3 : i32
    "tpu.region"() ({
      %run_scoped3A = tpu.sem_alloc : memref<!tpu.dma_semaphore, #tpu.memory_space<semaphore_mem>>
      %dma_start3A = tpu.memref_slice %arg3[%mul3A_4] : memref<320000xi32, #tpu.memory_space<hbm>> -> memref<10000xi32, #tpu.memory_space<hbm>>
      %dma_start3A_45 = tpu.memref_slice %arg3[%mul3A_4] : memref<320000xi32, #tpu.memory_space<hbm>> -> memref<10000xi32, #tpu.memory_space<hbm>>
      tpu.enqueue_dma source(%dma_start3A_45 : memref<10000xi32, #tpu.memory_space<hbm>>) target(%arg7 : memref<10000xi32, #tpu.memory_space<vmem>>) target_semaphore(%run_scoped3A : memref<!tpu.dma_semaphore, #tpu.memory_space<semaphore_mem>>)
      %dma_wait3A = tpu.memref_slice %arg3[%mul3A_4] : memref<320000xi32, #tpu.memory_space<hbm>> -> memref<10000xi32, #tpu.memory_space<hbm>>
      %dma_wait3A_46 = tpu.memref_slice %arg3[%mul3A_4] : memref<320000xi32, #tpu.memory_space<hbm>> -> memref<10000xi32, #tpu.memory_space<hbm>>
      tpu.wait_dma2 semaphore(%run_scoped3A : memref<!tpu.dma_semaphore, #tpu.memory_space<semaphore_mem>>) src(%dma_wait3A_46 : memref<10000xi32, #tpu.memory_space<hbm>>) dst(%arg7 : memref<10000xi32, #tpu.memory_space<vmem>>)
      tpu.yield
    }) : () -> ()
    %mul3A_5 = arith.constant 10000 : i32
    %mul3A_6 = arith.muli %add3A, %mul3A_5 : i32
    "tpu.region"() ({
      %run_scoped3A = tpu.sem_alloc : memref<!tpu.dma_semaphore, #tpu.memory_space<semaphore_mem>>
      %dma_start3A = tpu.memref_slice %arg4[%mul3A_6] : memref<320000xi32, #tpu.memory_space<hbm>> -> memref<10000xi32, #tpu.memory_space<hbm>>
      %dma_start3A_45 = tpu.memref_slice %arg4[%mul3A_6] : memref<320000xi32, #tpu.memory_space<hbm>> -> memref<10000xi32, #tpu.memory_space<hbm>>
      tpu.enqueue_dma source(%dma_start3A_45 : memref<10000xi32, #tpu.memory_space<hbm>>) target(%arg8 : memref<10000xi32, #tpu.memory_space<vmem>>) target_semaphore(%run_scoped3A : memref<!tpu.dma_semaphore, #tpu.memory_space<semaphore_mem>>)
      %dma_wait3A = tpu.memref_slice %arg4[%mul3A_6] : memref<320000xi32, #tpu.memory_space<hbm>> -> memref<10000xi32, #tpu.memory_space<hbm>>
      %dma_wait3A_46 = tpu.memref_slice %arg4[%mul3A_6] : memref<320000xi32, #tpu.memory_space<hbm>> -> memref<10000xi32, #tpu.memory_space<hbm>>
      tpu.wait_dma2 semaphore(%run_scoped3A : memref<!tpu.dma_semaphore, #tpu.memory_space<semaphore_mem>>) src(%dma_wait3A_46 : memref<10000xi32, #tpu.memory_space<hbm>>) dst(%arg8 : memref<10000xi32, #tpu.memory_space<vmem>>)
      tpu.yield
    }) : () -> ()
    %mul3A_7 = arith.constant 640 : i32
    %mul3A_8 = arith.muli %arg1, %mul3A_7 : i32
    %mul3A_9 = arith.constant 640 : i32
    %mul3A_10 = arith.muli %arg1, %mul3A_9 : i32
    "tpu.region"() ({
      %run_scoped3A = tpu.sem_alloc : memref<!tpu.dma_semaphore, #tpu.memory_space<semaphore_mem>>
      %dma_start3A = arith.constant 0 : i32
      %dma_start3A_45 = tpu.memref_slice %arg11[%mul3A_10, %dma_start3A] : memref<10240x16xf32, #tpu.memory_space<vmem_shared>> -> memref<640x16xf32, #tpu.memory_space<vmem_shared>>
      %dma_start3A_46 = arith.constant 0 : i32
      %dma_start3A_47 = tpu.memref_slice %arg2[%mul3A_8, %dma_start3A_46] : memref<10240x16xf32, #tpu.memory_space<hbm>> -> memref<640x16xf32, #tpu.memory_space<hbm>>
      tpu.enqueue_dma source(%dma_start3A_47 : memref<640x16xf32, #tpu.memory_space<hbm>>) target(%dma_start3A_45 : memref<640x16xf32, #tpu.memory_space<vmem_shared>>) target_semaphore(%run_scoped3A : memref<!tpu.dma_semaphore, #tpu.memory_space<semaphore_mem>>)
      %dma_wait3A = arith.constant 0 : i32
      %dma_wait3A_48 = tpu.memref_slice %arg11[%mul3A_10, %dma_wait3A] : memref<10240x16xf32, #tpu.memory_space<vmem_shared>> -> memref<640x16xf32, #tpu.memory_space<vmem_shared>>
      %dma_wait3A_49 = arith.constant 0 : i32
      %dma_wait3A_50 = tpu.memref_slice %arg2[%mul3A_8, %dma_wait3A_49] : memref<10240x16xf32, #tpu.memory_space<hbm>> -> memref<640x16xf32, #tpu.memory_space<hbm>>
      tpu.wait_dma2 semaphore(%run_scoped3A : memref<!tpu.dma_semaphore, #tpu.memory_space<semaphore_mem>>) src(%dma_wait3A_50 : memref<640x16xf32, #tpu.memory_space<hbm>>) dst(%dma_wait3A_48 : memref<640x16xf32, #tpu.memory_space<vmem_shared>>)
      tpu.yield
    }) : () -> ()
    %barrier3A = arith.constant 0 : index
    tpu.barrier barrier_id(%barrier3A)
    %scan3A = arith.constant 0 : i32
    %scan3A_11 = arith.constant 0 : i32
    %scan3A_12 = arith.constant 16 : i32
    %scan3A_13 = arith.addi %scan3A_11, %scan3A_12 : i32
    %scan3A_14 = arith.constant 1 : i32
    scf.for %scan3A_45 = %scan3A_11 to %scan3A_13 step %scan3A_14  : i32 {
      %mul3A_46 = arith.constant 80 : i32
      %mul3A_47 = arith.muli %scan3A_45, %mul3A_46 : i32
      %jit3A = arith.constant 16 : i32
      %eq3A = arith.constant 0 : i32
      %eq3A_48 = arith.cmpi eq, %jit3A, %eq3A : i32
      %jit3A_49 = arith.constant 1 : i32
      %select_n3A = arith.select %eq3A_48, %jit3A_49, %jit3A : i32
      %rem3A = arith.remsi %scan3A_45, %select_n3A : i32
      %ne3A = arith.constant 0 : i32
      %ne3A_50 = arith.cmpi ne, %rem3A, %ne3A : i32
      %lt3A = arith.constant 0 : i32
      %lt3A_51 = arith.cmpi slt, %rem3A, %lt3A : i32
      %lt3A_52 = arith.constant 0 : i32
      %lt3A_53 = arith.cmpi slt, %select_n3A, %lt3A_52 : i32
      %ne3A_54 = arith.xori %lt3A_51, %lt3A_53 : i1
      %and3A = arith.andi %ne3A_54, %ne3A_50 : i1
      %add3A_55 = arith.addi %rem3A, %select_n3A : i32
      %select_n3A_56 = arith.select %and3A, %add3A_55, %rem3A : i32
      %dma_start3A = arith.constant 0 : i32
      %dma_start3A_57 = arith.constant 0 : i32
      %dma_start3A_58 = tpu.memref_slice %arg9[%select_n3A_56, %dma_start3A, %dma_start3A_57] : memref<16x80x16xf32, #tpu.memory_space<vmem>> -> memref<1x80x16xf32, #tpu.memory_space<vmem>>
      %dma_start3A_59 = tpu.memref_squeeze %dma_start3A_58 : memref<1x80x16xf32, #tpu.memory_space<vmem>> -> memref<80x16xf32, #tpu.memory_space<vmem>>
      %dma_start3A_60 = tpu.memref_slice %arg7[%mul3A_47] : memref<10000xi32, #tpu.memory_space<vmem>> -> memref<80xi32, #tpu.memory_space<vmem>>
      %dma_start3A_61 = arith.constant 0 : i32
      %dma_start3A_62 = arith.constant 0 : i32
      %dma_start3A_63 = tpu.memref_slice %arg11[%dma_start3A_61, %dma_start3A_62] : memref<10240x16xf32, #tpu.memory_space<vmem_shared>> -> memref<10240x16xf32, #tpu.memory_space<vmem_shared>>
      tpu.enqueue_indirect_dma source(%dma_start3A_63 : memref<10240x16xf32, #tpu.memory_space<vmem_shared>>) target(%dma_start3A_59 : memref<80x16xf32, #tpu.memory_space<vmem>>) offsets(%dma_start3A_60 : memref<80xi32, #tpu.memory_space<vmem>>) semaphore(%arg12 : memref<!tpu.dma_semaphore, #tpu.memory_space<semaphore_mem>>)
    }
    %scan3A_15 = arith.constant 16 : i32
    %scan3A_16 = arith.constant 0 : i32
    %scan3A_17 = arith.constant 0 : i32
    %scan3A_18 = arith.constant 8 : i32
    %scan3A_19 = arith.addi %scan3A_17, %scan3A_18 : i32
    %scan3A_20 = arith.constant 1 : i32
    scf.for %scan3A_45 = %scan3A_17 to %scan3A_19 step %scan3A_20  : i32 {
      %dma_wait3A = arith.constant 0 : i32
      %dma_wait3A_46 = arith.constant 0 : i32
      %dma_wait3A_47 = arith.constant 0 : i32
      %dma_wait3A_48 = tpu.memref_slice %arg9[%dma_wait3A, %dma_wait3A_46, %dma_wait3A_47] : memref<16x80x16xf32, #tpu.memory_space<vmem>> -> memref<1x80x16xf32, #tpu.memory_space<vmem>>
      %dma_wait3A_49 = tpu.memref_squeeze %dma_wait3A_48 : memref<1x80x16xf32, #tpu.memory_space<vmem>> -> memref<80x16xf32, #tpu.memory_space<vmem>>
      %dma_wait3A_50 = arith.constant 0 : i32
      %dma_wait3A_51 = arith.constant 0 : i32
      %dma_wait3A_52 = tpu.memref_slice %arg2[%dma_wait3A_50, %dma_wait3A_51] : memref<10240x16xf32, #tpu.memory_space<hbm>> -> memref<80x16xf32, #tpu.memory_space<hbm>>
      %dma_wait3A_53 = arith.constant 0 : i32
      %dma_wait3A_54 = arith.constant 0 : i32
      %dma_wait3A_55 = tpu.memref_slice %arg9[%dma_wait3A, %dma_wait3A_53, %dma_wait3A_54] : memref<16x80x16xf32, #tpu.memory_space<vmem>> -> memref<1x80x16xf32, #tpu.memory_space<vmem>>
      %dma_wait3A_56 = tpu.memref_squeeze %dma_wait3A_55 : memref<1x80x16xf32, #tpu.memory_space<vmem>> -> memref<80x16xf32, #tpu.memory_space<vmem>>
      %dma_wait3A_57 = arith.constant 0 : i32
      %dma_wait3A_58 = arith.constant 0 : i32
      %dma_wait3A_59 = tpu.memref_slice %arg2[%dma_wait3A_57, %dma_wait3A_58] : memref<10240x16xf32, #tpu.memory_space<hbm>> -> memref<80x16xf32, #tpu.memory_space<hbm>>
      tpu.wait_dma2 semaphore(%arg12 : memref<!tpu.dma_semaphore, #tpu.memory_space<semaphore_mem>>) src(%dma_wait3A_59 : memref<80x16xf32, #tpu.memory_space<hbm>>) dst(%dma_wait3A_56 : memref<80x16xf32, #tpu.memory_space<vmem>>)
      %mul3A_60 = arith.constant 80 : i32
      %mul3A_61 = arith.muli %scan3A_45, %mul3A_60 : i32
      %jit3A = arith.constant 16 : i32
      %eq3A = arith.constant 0 : i32
      %eq3A_62 = arith.cmpi eq, %jit3A, %eq3A : i32
      %jit3A_63 = arith.constant 1 : i32
      %select_n3A = arith.select %eq3A_62, %jit3A_63, %jit3A : i32
      %rem3A = arith.remsi %scan3A_45, %select_n3A : i32
      %ne3A = arith.constant 0 : i32
      %ne3A_64 = arith.cmpi ne, %rem3A, %ne3A : i32
      %lt3A = arith.constant 0 : i32
      %lt3A_65 = arith.cmpi slt, %rem3A, %lt3A : i32
      %lt3A_66 = arith.constant 0 : i32
      %lt3A_67 = arith.cmpi slt, %select_n3A, %lt3A_66 : i32
      %ne3A_68 = arith.xori %lt3A_65, %lt3A_67 : i1
      %and3A = arith.andi %ne3A_68, %ne3A_64 : i1
      %add3A_69 = arith.addi %rem3A, %select_n3A : i32
      %select_n3A_70 = arith.select %and3A, %add3A_69, %rem3A : i32
      %dma_start3A = arith.constant 0 : i32
      %dma_start3A_71 = arith.constant 0 : i32
      %dma_start3A_72 = tpu.memref_slice %arg9[%select_n3A_70, %dma_start3A, %dma_start3A_71] : memref<16x80x16xf32, #tpu.memory_space<vmem>> -> memref<1x80x16xf32, #tpu.memory_space<vmem>>
      %dma_start3A_73 = tpu.memref_squeeze %dma_start3A_72 : memref<1x80x16xf32, #tpu.memory_space<vmem>> -> memref<80x16xf32, #tpu.memory_space<vmem>>
      %dma_start3A_74 = tpu.memref_slice %arg8[%mul3A_61] : memref<10000xi32, #tpu.memory_space<vmem>> -> memref<80xi32, #tpu.memory_space<vmem>>
      %dma_start3A_75 = arith.constant 0 : i32
      %dma_start3A_76 = arith.constant 0 : i32
      %dma_start3A_77 = tpu.memref_slice %arg10[%dma_start3A_75, %dma_start3A_76] : memref<10240x16xf32, #tpu.memory_space<vmem_shared>> -> memref<10240x16xf32, #tpu.memory_space<vmem_shared>>
      tpu.enqueue_indirect_dma source(%dma_start3A_73 : memref<80x16xf32, #tpu.memory_space<vmem>>) target(%dma_start3A_77 : memref<10240x16xf32, #tpu.memory_space<vmem_shared>>) offsets(%dma_start3A_74 : memref<80xi32, #tpu.memory_space<vmem>>) semaphore(%arg13 : memref<!tpu.dma_semaphore, #tpu.memory_space<semaphore_mem>>) {add = true}
    }
    %scan3A_21 = arith.constant 8 : i32
    %scan3A_22 = arith.constant 0 : i32
    %scan3A_23 = arith.constant 8 : i32
    %scan3A_24 = arith.constant 109 : i32
    %scan3A_25 = arith.addi %scan3A_23, %scan3A_24 : i32
    %scan3A_26 = arith.constant 1 : i32
    scf.for %scan3A_45 = %scan3A_23 to %scan3A_25 step %scan3A_26  : i32 {
      %dma_wait3A = arith.constant 0 : i32
      %dma_wait3A_46 = arith.constant 0 : i32
      %dma_wait3A_47 = arith.constant 0 : i32
      %dma_wait3A_48 = tpu.memref_slice %arg9[%dma_wait3A, %dma_wait3A_46, %dma_wait3A_47] : memref<16x80x16xf32, #tpu.memory_space<vmem>> -> memref<1x80x16xf32, #tpu.memory_space<vmem>>
      %dma_wait3A_49 = tpu.memref_squeeze %dma_wait3A_48 : memref<1x80x16xf32, #tpu.memory_space<vmem>> -> memref<80x16xf32, #tpu.memory_space<vmem>>
      %dma_wait3A_50 = arith.constant 0 : i32
      %dma_wait3A_51 = arith.constant 0 : i32
      %dma_wait3A_52 = tpu.memref_slice %arg2[%dma_wait3A_50, %dma_wait3A_51] : memref<10240x16xf32, #tpu.memory_space<hbm>> -> memref<80x16xf32, #tpu.memory_space<hbm>>
      %dma_wait3A_53 = arith.constant 0 : i32
      %dma_wait3A_54 = arith.constant 0 : i32
      %dma_wait3A_55 = tpu.memref_slice %arg9[%dma_wait3A, %dma_wait3A_53, %dma_wait3A_54] : memref<16x80x16xf32, #tpu.memory_space<vmem>> -> memref<1x80x16xf32, #tpu.memory_space<vmem>>
      %dma_wait3A_56 = tpu.memref_squeeze %dma_wait3A_55 : memref<1x80x16xf32, #tpu.memory_space<vmem>> -> memref<80x16xf32, #tpu.memory_space<vmem>>
      %dma_wait3A_57 = arith.constant 0 : i32
      %dma_wait3A_58 = arith.constant 0 : i32
      %dma_wait3A_59 = tpu.memref_slice %arg2[%dma_wait3A_57, %dma_wait3A_58] : memref<10240x16xf32, #tpu.memory_space<hbm>> -> memref<80x16xf32, #tpu.memory_space<hbm>>
      tpu.wait_dma2 semaphore(%arg12 : memref<!tpu.dma_semaphore, #tpu.memory_space<semaphore_mem>>) src(%dma_wait3A_59 : memref<80x16xf32, #tpu.memory_space<hbm>>) dst(%dma_wait3A_56 : memref<80x16xf32, #tpu.memory_space<vmem>>)
      %mul3A_60 = arith.constant 80 : i32
      %mul3A_61 = arith.muli %scan3A_45, %mul3A_60 : i32
      %jit3A = arith.constant 16 : i32
      %eq3A = arith.constant 0 : i32
      %eq3A_62 = arith.cmpi eq, %jit3A, %eq3A : i32
      %jit3A_63 = arith.constant 1 : i32
      %select_n3A = arith.select %eq3A_62, %jit3A_63, %jit3A : i32
      %rem3A = arith.remsi %scan3A_45, %select_n3A : i32
      %ne3A = arith.constant 0 : i32
      %ne3A_64 = arith.cmpi ne, %rem3A, %ne3A : i32
      %lt3A = arith.constant 0 : i32
      %lt3A_65 = arith.cmpi slt, %rem3A, %lt3A : i32
      %lt3A_66 = arith.constant 0 : i32
      %lt3A_67 = arith.cmpi slt, %select_n3A, %lt3A_66 : i32
      %ne3A_68 = arith.xori %lt3A_65, %lt3A_67 : i1
      %and3A = arith.andi %ne3A_68, %ne3A_64 : i1
      %add3A_69 = arith.addi %rem3A, %select_n3A : i32
      %select_n3A_70 = arith.select %and3A, %add3A_69, %rem3A : i32
      %dma_start3A = arith.constant 0 : i32
      %dma_start3A_71 = arith.constant 0 : i32
      %dma_start3A_72 = tpu.memref_slice %arg9[%select_n3A_70, %dma_start3A, %dma_start3A_71] : memref<16x80x16xf32, #tpu.memory_space<vmem>> -> memref<1x80x16xf32, #tpu.memory_space<vmem>>
      %dma_start3A_73 = tpu.memref_squeeze %dma_start3A_72 : memref<1x80x16xf32, #tpu.memory_space<vmem>> -> memref<80x16xf32, #tpu.memory_space<vmem>>
      %dma_start3A_74 = tpu.memref_slice %arg8[%mul3A_61] : memref<10000xi32, #tpu.memory_space<vmem>> -> memref<80xi32, #tpu.memory_space<vmem>>
      %dma_start3A_75 = arith.constant 0 : i32
      %dma_start3A_76 = arith.constant 0 : i32
      %dma_start3A_77 = tpu.memref_slice %arg10[%dma_start3A_75, %dma_start3A_76] : memref<10240x16xf32, #tpu.memory_space<vmem_shared>> -> memref<10240x16xf32, #tpu.memory_space<vmem_shared>>
      tpu.enqueue_indirect_dma source(%dma_start3A_73 : memref<80x16xf32, #tpu.memory_space<vmem>>) target(%dma_start3A_77 : memref<10240x16xf32, #tpu.memory_space<vmem_shared>>) offsets(%dma_start3A_74 : memref<80xi32, #tpu.memory_space<vmem>>) semaphore(%arg13 : memref<!tpu.dma_semaphore, #tpu.memory_space<semaphore_mem>>) {add = true}
      %dma_wait3A_78 = arith.constant 0 : i32
      %dma_wait3A_79 = arith.constant 0 : i32
      %dma_wait3A_80 = arith.constant 0 : i32
      %dma_wait3A_81 = tpu.memref_slice %arg9[%dma_wait3A_78, %dma_wait3A_79, %dma_wait3A_80] : memref<16x80x16xf32, #tpu.memory_space<vmem>> -> memref<1x80x16xf32, #tpu.memory_space<vmem>>
      %dma_wait3A_82 = tpu.memref_squeeze %dma_wait3A_81 : memref<1x80x16xf32, #tpu.memory_space<vmem>> -> memref<80x16xf32, #tpu.memory_space<vmem>>
      %dma_wait3A_83 = arith.constant 0 : i32
      %dma_wait3A_84 = arith.constant 0 : i32
      %dma_wait3A_85 = tpu.memref_slice %arg2[%dma_wait3A_83, %dma_wait3A_84] : memref<10240x16xf32, #tpu.memory_space<hbm>> -> memref<80x16xf32, #tpu.memory_space<hbm>>
      %dma_wait3A_86 = arith.constant 0 : i32
      %dma_wait3A_87 = arith.constant 0 : i32
      %dma_wait3A_88 = tpu.memref_slice %arg9[%dma_wait3A_78, %dma_wait3A_86, %dma_wait3A_87] : memref<16x80x16xf32, #tpu.memory_space<vmem>> -> memref<1x80x16xf32, #tpu.memory_space<vmem>>
      %dma_wait3A_89 = tpu.memref_squeeze %dma_wait3A_88 : memref<1x80x16xf32, #tpu.memory_space<vmem>> -> memref<80x16xf32, #tpu.memory_space<vmem>>
      %dma_wait3A_90 = arith.constant 0 : i32
      %dma_wait3A_91 = arith.constant 0 : i32
      %dma_wait3A_92 = tpu.memref_slice %arg2[%dma_wait3A_90, %dma_wait3A_91] : memref<10240x16xf32, #tpu.memory_space<hbm>> -> memref<80x16xf32, #tpu.memory_space<hbm>>
      tpu.wait_dma2 semaphore(%arg13 : memref<!tpu.dma_semaphore, #tpu.memory_space<semaphore_mem>>) src(%dma_wait3A_92 : memref<80x16xf32, #tpu.memory_space<hbm>>) dst(%dma_wait3A_89 : memref<80x16xf32, #tpu.memory_space<vmem>>)
      %add3A_93 = arith.constant 16 : i32
      %add3A_94 = arith.addi %scan3A_45, %add3A_93 : i32
      %sub3A = arith.constant 8 : i32
      %sub3A_95 = arith.subi %add3A_94, %sub3A : i32
      %mul3A_96 = arith.constant 80 : i32
      %mul3A_97 = arith.muli %sub3A_95, %mul3A_96 : i32
      %jit3A_98 = arith.constant 16 : i32
      %eq3A_99 = arith.constant 0 : i32
      %eq3A_100 = arith.cmpi eq, %jit3A_98, %eq3A_99 : i32
      %jit3A_101 = arith.constant 1 : i32
      %select_n3A_102 = arith.select %eq3A_100, %jit3A_101, %jit3A_98 : i32
      %rem3A_103 = arith.remsi %sub3A_95, %select_n3A_102 : i32
      %ne3A_104 = arith.constant 0 : i32
      %ne3A_105 = arith.cmpi ne, %rem3A_103, %ne3A_104 : i32
      %lt3A_106 = arith.constant 0 : i32
      %lt3A_107 = arith.cmpi slt, %rem3A_103, %lt3A_106 : i32
      %lt3A_108 = arith.constant 0 : i32
      %lt3A_109 = arith.cmpi slt, %select_n3A_102, %lt3A_108 : i32
      %ne3A_110 = arith.xori %lt3A_107, %lt3A_109 : i1
      %and3A_111 = arith.andi %ne3A_110, %ne3A_105 : i1
      %add3A_112 = arith.addi %rem3A_103, %select_n3A_102 : i32
      %select_n3A_113 = arith.select %and3A_111, %add3A_112, %rem3A_103 : i32
      %dma_start3A_114 = arith.constant 0 : i32
      %dma_start3A_115 = arith.constant 0 : i32
      %dma_start3A_116 = tpu.memref_slice %arg9[%select_n3A_113, %dma_start3A_114, %dma_start3A_115] : memref<16x80x16xf32, #tpu.memory_space<vmem>> -> memref<1x80x16xf32, #tpu.memory_space<vmem>>
      %dma_start3A_117 = tpu.memref_squeeze %dma_start3A_116 : memref<1x80x16xf32, #tpu.memory_space<vmem>> -> memref<80x16xf32, #tpu.memory_space<vmem>>
      %dma_start3A_118 = tpu.memref_slice %arg7[%mul3A_97] : memref<10000xi32, #tpu.memory_space<vmem>> -> memref<80xi32, #tpu.memory_space<vmem>>
      %dma_start3A_119 = arith.constant 0 : i32
      %dma_start3A_120 = arith.constant 0 : i32
      %dma_start3A_121 = tpu.memref_slice %arg11[%dma_start3A_119, %dma_start3A_120] : memref<10240x16xf32, #tpu.memory_space<vmem_shared>> -> memref<10240x16xf32, #tpu.memory_space<vmem_shared>>
      tpu.enqueue_indirect_dma source(%dma_start3A_121 : memref<10240x16xf32, #tpu.memory_space<vmem_shared>>) target(%dma_start3A_117 : memref<80x16xf32, #tpu.memory_space<vmem>>) offsets(%dma_start3A_118 : memref<80xi32, #tpu.memory_space<vmem>>) semaphore(%arg12 : memref<!tpu.dma_semaphore, #tpu.memory_space<semaphore_mem>>)
    }
    %scan3A_27 = arith.constant 109 : i32
    %scan3A_28 = arith.constant 0 : i32
    %scan3A_29 = arith.constant 117 : i32
    %scan3A_30 = arith.constant 8 : i32
    %scan3A_31 = arith.addi %scan3A_29, %scan3A_30 : i32
    %scan3A_32 = arith.constant 1 : i32
    scf.for %scan3A_45 = %scan3A_29 to %scan3A_31 step %scan3A_32  : i32 {
      %dma_wait3A = arith.constant 0 : i32
      %dma_wait3A_46 = arith.constant 0 : i32
      %dma_wait3A_47 = arith.constant 0 : i32
      %dma_wait3A_48 = tpu.memref_slice %arg9[%dma_wait3A, %dma_wait3A_46, %dma_wait3A_47] : memref<16x80x16xf32, #tpu.memory_space<vmem>> -> memref<1x80x16xf32, #tpu.memory_space<vmem>>
      %dma_wait3A_49 = tpu.memref_squeeze %dma_wait3A_48 : memref<1x80x16xf32, #tpu.memory_space<vmem>> -> memref<80x16xf32, #tpu.memory_space<vmem>>
      %dma_wait3A_50 = arith.constant 0 : i32
      %dma_wait3A_51 = arith.constant 0 : i32
      %dma_wait3A_52 = tpu.memref_slice %arg2[%dma_wait3A_50, %dma_wait3A_51] : memref<10240x16xf32, #tpu.memory_space<hbm>> -> memref<80x16xf32, #tpu.memory_space<hbm>>
      %dma_wait3A_53 = arith.constant 0 : i32
      %dma_wait3A_54 = arith.constant 0 : i32
      %dma_wait3A_55 = tpu.memref_slice %arg9[%dma_wait3A, %dma_wait3A_53, %dma_wait3A_54] : memref<16x80x16xf32, #tpu.memory_space<vmem>> -> memref<1x80x16xf32, #tpu.memory_space<vmem>>
      %dma_wait3A_56 = tpu.memref_squeeze %dma_wait3A_55 : memref<1x80x16xf32, #tpu.memory_space<vmem>> -> memref<80x16xf32, #tpu.memory_space<vmem>>
      %dma_wait3A_57 = arith.constant 0 : i32
      %dma_wait3A_58 = arith.constant 0 : i32
      %dma_wait3A_59 = tpu.memref_slice %arg2[%dma_wait3A_57, %dma_wait3A_58] : memref<10240x16xf32, #tpu.memory_space<hbm>> -> memref<80x16xf32, #tpu.memory_space<hbm>>
      tpu.wait_dma2 semaphore(%arg12 : memref<!tpu.dma_semaphore, #tpu.memory_space<semaphore_mem>>) src(%dma_wait3A_59 : memref<80x16xf32, #tpu.memory_space<hbm>>) dst(%dma_wait3A_56 : memref<80x16xf32, #tpu.memory_space<vmem>>)
      %mul3A_60 = arith.constant 80 : i32
      %mul3A_61 = arith.muli %scan3A_45, %mul3A_60 : i32
      %jit3A = arith.constant 16 : i32
      %eq3A = arith.constant 0 : i32
      %eq3A_62 = arith.cmpi eq, %jit3A, %eq3A : i32
      %jit3A_63 = arith.constant 1 : i32
      %select_n3A = arith.select %eq3A_62, %jit3A_63, %jit3A : i32
      %rem3A = arith.remsi %scan3A_45, %select_n3A : i32
      %ne3A = arith.constant 0 : i32
      %ne3A_64 = arith.cmpi ne, %rem3A, %ne3A : i32
      %lt3A = arith.constant 0 : i32
      %lt3A_65 = arith.cmpi slt, %rem3A, %lt3A : i32
      %lt3A_66 = arith.constant 0 : i32
      %lt3A_67 = arith.cmpi slt, %select_n3A, %lt3A_66 : i32
      %ne3A_68 = arith.xori %lt3A_65, %lt3A_67 : i1
      %and3A = arith.andi %ne3A_68, %ne3A_64 : i1
      %add3A_69 = arith.addi %rem3A, %select_n3A : i32
      %select_n3A_70 = arith.select %and3A, %add3A_69, %rem3A : i32
      %dma_start3A = arith.constant 0 : i32
      %dma_start3A_71 = arith.constant 0 : i32
      %dma_start3A_72 = tpu.memref_slice %arg9[%select_n3A_70, %dma_start3A, %dma_start3A_71] : memref<16x80x16xf32, #tpu.memory_space<vmem>> -> memref<1x80x16xf32, #tpu.memory_space<vmem>>
      %dma_start3A_73 = tpu.memref_squeeze %dma_start3A_72 : memref<1x80x16xf32, #tpu.memory_space<vmem>> -> memref<80x16xf32, #tpu.memory_space<vmem>>
      %dma_start3A_74 = tpu.memref_slice %arg8[%mul3A_61] : memref<10000xi32, #tpu.memory_space<vmem>> -> memref<80xi32, #tpu.memory_space<vmem>>
      %dma_start3A_75 = arith.constant 0 : i32
      %dma_start3A_76 = arith.constant 0 : i32
      %dma_start3A_77 = tpu.memref_slice %arg10[%dma_start3A_75, %dma_start3A_76] : memref<10240x16xf32, #tpu.memory_space<vmem_shared>> -> memref<10240x16xf32, #tpu.memory_space<vmem_shared>>
      tpu.enqueue_indirect_dma source(%dma_start3A_73 : memref<80x16xf32, #tpu.memory_space<vmem>>) target(%dma_start3A_77 : memref<10240x16xf32, #tpu.memory_space<vmem_shared>>) offsets(%dma_start3A_74 : memref<80xi32, #tpu.memory_space<vmem>>) semaphore(%arg13 : memref<!tpu.dma_semaphore, #tpu.memory_space<semaphore_mem>>) {add = true}
      %dma_wait3A_78 = arith.constant 0 : i32
      %dma_wait3A_79 = arith.constant 0 : i32
      %dma_wait3A_80 = arith.constant 0 : i32
      %dma_wait3A_81 = tpu.memref_slice %arg9[%dma_wait3A_78, %dma_wait3A_79, %dma_wait3A_80] : memref<16x80x16xf32, #tpu.memory_space<vmem>> -> memref<1x80x16xf32, #tpu.memory_space<vmem>>
      %dma_wait3A_82 = tpu.memref_squeeze %dma_wait3A_81 : memref<1x80x16xf32, #tpu.memory_space<vmem>> -> memref<80x16xf32, #tpu.memory_space<vmem>>
      %dma_wait3A_83 = arith.constant 0 : i32
      %dma_wait3A_84 = arith.constant 0 : i32
      %dma_wait3A_85 = tpu.memref_slice %arg2[%dma_wait3A_83, %dma_wait3A_84] : memref<10240x16xf32, #tpu.memory_space<hbm>> -> memref<80x16xf32, #tpu.memory_space<hbm>>
      %dma_wait3A_86 = arith.constant 0 : i32
      %dma_wait3A_87 = arith.constant 0 : i32
      %dma_wait3A_88 = tpu.memref_slice %arg9[%dma_wait3A_78, %dma_wait3A_86, %dma_wait3A_87] : memref<16x80x16xf32, #tpu.memory_space<vmem>> -> memref<1x80x16xf32, #tpu.memory_space<vmem>>
      %dma_wait3A_89 = tpu.memref_squeeze %dma_wait3A_88 : memref<1x80x16xf32, #tpu.memory_space<vmem>> -> memref<80x16xf32, #tpu.memory_space<vmem>>
      %dma_wait3A_90 = arith.constant 0 : i32
      %dma_wait3A_91 = arith.constant 0 : i32
      %dma_wait3A_92 = tpu.memref_slice %arg2[%dma_wait3A_90, %dma_wait3A_91] : memref<10240x16xf32, #tpu.memory_space<hbm>> -> memref<80x16xf32, #tpu.memory_space<hbm>>
      tpu.wait_dma2 semaphore(%arg13 : memref<!tpu.dma_semaphore, #tpu.memory_space<semaphore_mem>>) src(%dma_wait3A_92 : memref<80x16xf32, #tpu.memory_space<hbm>>) dst(%dma_wait3A_89 : memref<80x16xf32, #tpu.memory_space<vmem>>)
    }
    %scan3A_33 = arith.constant 8 : i32
    %scan3A_34 = arith.constant 0 : i32
    %scan3A_35 = arith.constant 0 : i32
    %scan3A_36 = arith.constant 8 : i32
    %scan3A_37 = arith.addi %scan3A_35, %scan3A_36 : i32
    %scan3A_38 = arith.constant 1 : i32
    scf.for %scan3A_45 = %scan3A_35 to %scan3A_37 step %scan3A_38  : i32 {
      %dma_wait3A = arith.constant 0 : i32
      %dma_wait3A_46 = arith.constant 0 : i32
      %dma_wait3A_47 = arith.constant 0 : i32
      %dma_wait3A_48 = tpu.memref_slice %arg9[%dma_wait3A, %dma_wait3A_46, %dma_wait3A_47] : memref<16x80x16xf32, #tpu.memory_space<vmem>> -> memref<1x80x16xf32, #tpu.memory_space<vmem>>
      %dma_wait3A_49 = tpu.memref_squeeze %dma_wait3A_48 : memref<1x80x16xf32, #tpu.memory_space<vmem>> -> memref<80x16xf32, #tpu.memory_space<vmem>>
      %dma_wait3A_50 = arith.constant 0 : i32
      %dma_wait3A_51 = arith.constant 0 : i32
      %dma_wait3A_52 = tpu.memref_slice %arg2[%dma_wait3A_50, %dma_wait3A_51] : memref<10240x16xf32, #tpu.memory_space<hbm>> -> memref<80x16xf32, #tpu.memory_space<hbm>>
      %dma_wait3A_53 = arith.constant 0 : i32
      %dma_wait3A_54 = arith.constant 0 : i32
      %dma_wait3A_55 = tpu.memref_slice %arg9[%dma_wait3A, %dma_wait3A_53, %dma_wait3A_54] : memref<16x80x16xf32, #tpu.memory_space<vmem>> -> memref<1x80x16xf32, #tpu.memory_space<vmem>>
      %dma_wait3A_56 = tpu.memref_squeeze %dma_wait3A_55 : memref<1x80x16xf32, #tpu.memory_space<vmem>> -> memref<80x16xf32, #tpu.memory_space<vmem>>
      %dma_wait3A_57 = arith.constant 0 : i32
      %dma_wait3A_58 = arith.constant 0 : i32
      %dma_wait3A_59 = tpu.memref_slice %arg2[%dma_wait3A_57, %dma_wait3A_58] : memref<10240x16xf32, #tpu.memory_space<hbm>> -> memref<80x16xf32, #tpu.memory_space<hbm>>
      tpu.wait_dma2 semaphore(%arg13 : memref<!tpu.dma_semaphore, #tpu.memory_space<semaphore_mem>>) src(%dma_wait3A_59 : memref<80x16xf32, #tpu.memory_space<hbm>>) dst(%dma_wait3A_56 : memref<80x16xf32, #tpu.memory_space<vmem>>)
    }
    %scan3A_39 = arith.constant 8 : i32
    %barrier3A_40 = arith.constant 0 : index
    tpu.barrier barrier_id(%barrier3A_40)
    %mul3A_41 = arith.constant 640 : i32
    %mul3A_42 = arith.muli %arg1, %mul3A_41 : i32
    %mul3A_43 = arith.constant 640 : i32
    %mul3A_44 = arith.muli %arg1, %mul3A_43 : i32
    "tpu.region"() ({
      %run_scoped3A = tpu.sem_alloc : memref<!tpu.dma_semaphore, #tpu.memory_space<semaphore_mem>>
      %dma_start3A = arith.constant 0 : i32
      %dma_start3A_45 = arith.constant 0 : i32
      %dma_start3A_46 = tpu.memref_slice %arg6[%arg0, %dma_start3A, %dma_start3A_45] : memref<2x10240x16xf32, #tpu.memory_space<hbm>> -> memref<1x10240x16xf32, #tpu.memory_space<hbm>>
      %dma_start3A_47 = tpu.memref_squeeze %dma_start3A_46 : memref<1x10240x16xf32, #tpu.memory_space<hbm>> -> memref<10240x16xf32, #tpu.memory_space<hbm>>
      %dma_start3A_48 = arith.constant 0 : i32
      %dma_start3A_49 = tpu.memref_slice %dma_start3A_47[%mul3A_44, %dma_start3A_48] : memref<10240x16xf32, #tpu.memory_space<hbm>> -> memref<640x16xf32, #tpu.memory_space<hbm>>
      %dma_start3A_50 = arith.constant 0 : i32
      %dma_start3A_51 = tpu.memref_slice %arg10[%mul3A_42, %dma_start3A_50] : memref<10240x16xf32, #tpu.memory_space<vmem_shared>> -> memref<640x16xf32, #tpu.memory_space<vmem_shared>>
      tpu.enqueue_dma source(%dma_start3A_51 : memref<640x16xf32, #tpu.memory_space<vmem_shared>>) target(%dma_start3A_49 : memref<640x16xf32, #tpu.memory_space<hbm>>) target_semaphore(%run_scoped3A : memref<!tpu.dma_semaphore, #tpu.memory_space<semaphore_mem>>)
      %dma_wait3A = arith.constant 0 : i32
      %dma_wait3A_52 = arith.constant 0 : i32
      %dma_wait3A_53 = tpu.memref_slice %arg6[%arg0, %dma_wait3A, %dma_wait3A_52] : memref<2x10240x16xf32, #tpu.memory_space<hbm>> -> memref<1x10240x16xf32, #tpu.memory_space<hbm>>
      %dma_wait3A_54 = tpu.memref_squeeze %dma_wait3A_53 : memref<1x10240x16xf32, #tpu.memory_space<hbm>> -> memref<10240x16xf32, #tpu.memory_space<hbm>>
      %dma_wait3A_55 = arith.constant 0 : i32
      %dma_wait3A_56 = tpu.memref_slice %dma_wait3A_54[%mul3A_44, %dma_wait3A_55] : memref<10240x16xf32, #tpu.memory_space<hbm>> -> memref<640x16xf32, #tpu.memory_space<hbm>>
      %dma_wait3A_57 = arith.constant 0 : i32
      %dma_wait3A_58 = tpu.memref_slice %arg10[%mul3A_42, %dma_wait3A_57] : memref<10240x16xf32, #tpu.memory_space<vmem_shared>> -> memref<640x16xf32, #tpu.memory_space<vmem_shared>>
      tpu.wait_dma2 semaphore(%run_scoped3A : memref<!tpu.dma_semaphore, #tpu.memory_space<semaphore_mem>>) src(%dma_wait3A_58 : memref<640x16xf32, #tpu.memory_space<vmem_shared>>) dst(%dma_wait3A_56 : memref<640x16xf32, #tpu.memory_space<hbm>>)
      tpu.yield
    }) : () -> ()
    return
  }
}

module attributes {stable_mosaic.version = 14 : i64} {
  func.func @_tc0_body(%arg0: memref<2x320000xi32, #tpu.memory_space<vmem>>, %arg1: memref<320000xi32, #tpu.memory_space<vmem>>, %arg2: memref<320000xi32, #tpu.memory_space<vmem>>) attributes {dimension_semantics = [], scalar_prefetch = 0 : i64, scratch_operands = 0 : i64, tpu.core_type = #tpu.core_type<tc>} {
    %get3A = arith.constant 0 : index
    %get3A_0 = arith.constant 0 : index
    %get3A_1 = vector.load %arg0[%get3A, %get3A_0] : memref<2x320000xi32, #tpu.memory_space<vmem>>, vector<1x320000xi32>
    %get3A_2 = vector.shape_cast %get3A_1 : vector<1x320000xi32> to vector<320000xi32>
    %shift_right_arithmetic3A = arith.constant 8 : i32
    %shift_right_arithmetic3A_3 = vector.broadcast %shift_right_arithmetic3A : i32 to vector<320000xi32>
    %shift_right_arithmetic3A_4 = arith.shrsi %get3A_2, %shift_right_arithmetic3A_3 : vector<320000xi32>
    %shift_left3A = arith.constant 3 : i32
    %shift_left3A_5 = vector.broadcast %shift_left3A : i32 to vector<320000xi32>
    %shift_left3A_6 = arith.shli %shift_right_arithmetic3A_4, %shift_left3A_5 : vector<320000xi32>
    %shift_left3A_7 = arith.constant 2 : i32
    %shift_left3A_8 = vector.broadcast %shift_left3A_7 : i32 to vector<320000xi32>
    %shift_left3A_9 = arith.shli %shift_right_arithmetic3A_4, %shift_left3A_8 : vector<320000xi32>
    %add3A = arith.addi %shift_left3A_6, %shift_left3A_9 : vector<320000xi32>
    %add3A_10 = arith.addi %add3A, %shift_right_arithmetic3A_4 : vector<320000xi32>
    %shift_right_arithmetic3A_11 = arith.constant 6 : i32
    %shift_right_arithmetic3A_12 = vector.broadcast %shift_right_arithmetic3A_11 : i32 to vector<320000xi32>
    %shift_right_arithmetic3A_13 = arith.shrsi %add3A_10, %shift_right_arithmetic3A_12 : vector<320000xi32>
    %shift_left3A_14 = arith.constant 10 : i32
    %shift_left3A_15 = vector.broadcast %shift_left3A_14 : i32 to vector<320000xi32>
    %shift_left3A_16 = arith.shli %shift_right_arithmetic3A_13, %shift_left3A_15 : vector<320000xi32>
    %shift_left3A_17 = arith.constant 8 : i32
    %shift_left3A_18 = vector.broadcast %shift_left3A_17 : i32 to vector<320000xi32>
    %shift_left3A_19 = arith.shli %shift_right_arithmetic3A_13, %shift_left3A_18 : vector<320000xi32>
    %add3A_20 = arith.addi %shift_left3A_16, %shift_left3A_19 : vector<320000xi32>
    %sub3A = arith.subi %get3A_2, %add3A_20 : vector<320000xi32>
    %shift_left3A_21 = arith.constant 3 : i32
    %shift_left3A_22 = vector.broadcast %shift_left3A_21 : i32 to vector<320000xi32>
    %shift_left3A_23 = arith.shli %sub3A, %shift_left3A_22 : vector<320000xi32>
    %add3A_24 = arith.addi %shift_left3A_23, %shift_right_arithmetic3A_13 : vector<320000xi32>
    %swap3A = arith.constant 0 : index
    %swap3A_25 = vector.load %arg1[%swap3A] : memref<320000xi32, #tpu.memory_space<vmem>>, vector<320000xi32>
    tpu.vector_store %arg1[%swap3A], %add3A_24 {strides = array<i32>} : memref<320000xi32, #tpu.memory_space<vmem>>, vector<320000xi32>,
    %get3A_26 = arith.constant 1 : index
    %get3A_27 = arith.constant 0 : index
    %get3A_28 = vector.load %arg0[%get3A_26, %get3A_27] : memref<2x320000xi32, #tpu.memory_space<vmem>>, vector<1x320000xi32>
    %get3A_29 = vector.shape_cast %get3A_28 : vector<1x320000xi32> to vector<320000xi32>
    %shift_right_arithmetic3A_30 = arith.constant 8 : i32
    %shift_right_arithmetic3A_31 = vector.broadcast %shift_right_arithmetic3A_30 : i32 to vector<320000xi32>
    %shift_right_arithmetic3A_32 = arith.shrsi %get3A_29, %shift_right_arithmetic3A_31 : vector<320000xi32>
    %shift_left3A_33 = arith.constant 3 : i32
    %shift_left3A_34 = vector.broadcast %shift_left3A_33 : i32 to vector<320000xi32>
    %shift_left3A_35 = arith.shli %shift_right_arithmetic3A_32, %shift_left3A_34 : vector<320000xi32>
    %shift_left3A_36 = arith.constant 2 : i32
    %shift_left3A_37 = vector.broadcast %shift_left3A_36 : i32 to vector<320000xi32>
    %shift_left3A_38 = arith.shli %shift_right_arithmetic3A_32, %shift_left3A_37 : vector<320000xi32>
    %add3A_39 = arith.addi %shift_left3A_35, %shift_left3A_38 : vector<320000xi32>
    %add3A_40 = arith.addi %add3A_39, %shift_right_arithmetic3A_32 : vector<320000xi32>
    %shift_right_arithmetic3A_41 = arith.constant 6 : i32
    %shift_right_arithmetic3A_42 = vector.broadcast %shift_right_arithmetic3A_41 : i32 to vector<320000xi32>
    %shift_right_arithmetic3A_43 = arith.shrsi %add3A_40, %shift_right_arithmetic3A_42 : vector<320000xi32>
    %shift_left3A_44 = arith.constant 10 : i32
    %shift_left3A_45 = vector.broadcast %shift_left3A_44 : i32 to vector<320000xi32>
    %shift_left3A_46 = arith.shli %shift_right_arithmetic3A_43, %shift_left3A_45 : vector<320000xi32>
    %shift_left3A_47 = arith.constant 8 : i32
    %shift_left3A_48 = vector.broadcast %shift_left3A_47 : i32 to vector<320000xi32>
    %shift_left3A_49 = arith.shli %shift_right_arithmetic3A_43, %shift_left3A_48 : vector<320000xi32>
    %add3A_50 = arith.addi %shift_left3A_46, %shift_left3A_49 : vector<320000xi32>
    %sub3A_51 = arith.subi %get3A_29, %add3A_50 : vector<320000xi32>
    %shift_left3A_52 = arith.constant 3 : i32
    %shift_left3A_53 = vector.broadcast %shift_left3A_52 : i32 to vector<320000xi32>
    %shift_left3A_54 = arith.shli %sub3A_51, %shift_left3A_53 : vector<320000xi32>
    %add3A_55 = arith.addi %shift_left3A_54, %shift_right_arithmetic3A_43 : vector<320000xi32>
    %swap3A_56 = arith.constant 0 : index
    %swap3A_57 = vector.load %arg2[%swap3A_56] : memref<320000xi32, #tpu.memory_space<vmem>>, vector<320000xi32>
    tpu.vector_store %arg2[%swap3A_56], %add3A_55 {strides = array<i32>} : memref<320000xi32, #tpu.memory_space<vmem>>, vector<320000xi32>,
    return
  }
}

module attributes {stable_mosaic.version = 14 : i64} {
  func.func @_tc1b_body(%arg0: memref<1280x128xf32, #tpu.memory_space<vmem>>, %arg1: memref<2x1280x128xf32, #tpu.memory_space<vmem>>, %arg2: memref<1280x128xf32, #tpu.memory_space<vmem>>, %arg3: memref<1280x128xf32, #tpu.memory_space<vmem>>) attributes {dimension_semantics = [], scalar_prefetch = 0 : i64, scratch_operands = 0 : i64, tpu.core_type = #tpu.core_type<tc>} {
    %get3A = arith.constant 0 : index
    %get3A_0 = arith.constant 0 : index
    %get3A_1 = arith.constant 0 : index
    %get3A_2 = vector.load %arg1[%get3A, %get3A_0, %get3A_1] : memref<2x1280x128xf32, #tpu.memory_space<vmem>>, vector<1x1280x128xf32>
    %get3A_3 = vector.shape_cast %get3A_2 : vector<1x1280x128xf32> to vector<1280x128xf32>
    %get3A_4 = arith.constant 1 : index
    %get3A_5 = arith.constant 0 : index
    %get3A_6 = arith.constant 0 : index
    %get3A_7 = vector.load %arg1[%get3A_4, %get3A_5, %get3A_6] : memref<2x1280x128xf32, #tpu.memory_space<vmem>>, vector<1x1280x128xf32>
    %get3A_8 = vector.shape_cast %get3A_7 : vector<1x1280x128xf32> to vector<1280x128xf32>
    %add3A = arith.addf %get3A_3, %get3A_8 : vector<1280x128xf32>
    %add3A_9 = arith.constant 1.000000e+00 : f32
    %add3A_10 = vector.broadcast %add3A_9 : f32 to vector<1280x128xf32>
    %add3A_11 = arith.addf %add3A, %add3A_10 : vector<1280x128xf32>
    %rsqrt3A = math.rsqrt %add3A_11 : vector<1280x128xf32>
    %swap3A = arith.constant 0 : index
    %swap3A_12 = arith.constant 0 : index
    %swap3A_13 = vector.load %arg3[%swap3A, %swap3A_12] : memref<1280x128xf32, #tpu.memory_space<vmem>>, vector<1280x128xf32>
    tpu.vector_store %arg3[%swap3A, %swap3A_12], %rsqrt3A {strides = array<i32>} : memref<1280x128xf32, #tpu.memory_space<vmem>>, vector<1280x128xf32>,
    %get3A_14 = arith.constant 0 : index
    %get3A_15 = arith.constant 0 : index
    %get3A_16 = vector.load %arg0[%get3A_14, %get3A_15] : memref<1280x128xf32, #tpu.memory_space<vmem>>, vector<1280x128xf32>
    %mul3A = arith.mulf %get3A_16, %rsqrt3A : vector<1280x128xf32>
    %swap3A_17 = arith.constant 0 : index
    %swap3A_18 = arith.constant 0 : index
    %swap3A_19 = vector.load %arg2[%swap3A_17, %swap3A_18] : memref<1280x128xf32, #tpu.memory_space<vmem>>, vector<1280x128xf32>
    tpu.vector_store %arg2[%swap3A_17, %swap3A_18], %mul3A {strides = array<i32>} : memref<1280x128xf32, #tpu.memory_space<vmem>>, vector<1280x128xf32>,
    return
  }
}

module attributes {stable_mosaic.version = 14 : i64} {
  func.func @_tc1a_body(%arg0: memref<10000x128xf32, #tpu.memory_space<vmem>>, %arg1: memref<128x16xf32, #tpu.memory_space<vmem>>, %arg2: memref<1280x128xf32, #tpu.memory_space<vmem>>) attributes {dimension_semantics = [], scalar_prefetch = 0 : i64, scratch_operands = 0 : i64, tpu.core_type = #tpu.core_type<tc>} {
    %get3A = arith.constant 0 : index
    %get3A_0 = arith.constant 0 : index
    %get3A_1 = vector.load %arg0[%get3A, %get3A_0] : memref<10000x128xf32, #tpu.memory_space<vmem>>, vector<10000x128xf32>
    %get3A_2 = arith.constant 0 : index
    %get3A_3 = arith.constant 0 : index
    %get3A_4 = vector.load %arg1[%get3A_2, %get3A_3] : memref<128x16xf32, #tpu.memory_space<vmem>>, vector<128x16xf32>
    %dot_general3A = arith.constant dense<0.000000e+00> : vector<10000x16xf32>
    %dot_general3A_5 = tpu.matmul %get3A_1, %get3A_4, %dot_general3A {dimension_numbers = #tpu.dot_dimension_numbers<[1], [0], [0], [1], [0, 0, 1, 1], [], []>, transpose_lhs_hint = false} : vector<10000x128xf32>, vector<128x16xf32>, vector<10000x16xf32> -> vector<10000x16xf32>
    %slice3A = vector.extract_strided_slice %dot_general3A_5 {offsets = [0, 0], sizes = [1280, 16], strides = [1, 1]} : vector<10000x16xf32> to vector<1280x16xf32>
    %slice3A_6 = vector.extract_strided_slice %dot_general3A_5 {offsets = [1280, 0], sizes = [1280, 16], strides = [1, 1]} : vector<10000x16xf32> to vector<1280x16xf32>
    %slice3A_7 = vector.extract_strided_slice %dot_general3A_5 {offsets = [2560, 0], sizes = [1280, 16], strides = [1, 1]} : vector<10000x16xf32> to vector<1280x16xf32>
    %slice3A_8 = vector.extract_strided_slice %dot_general3A_5 {offsets = [3840, 0], sizes = [1280, 16], strides = [1, 1]} : vector<10000x16xf32> to vector<1280x16xf32>
    %slice3A_9 = vector.extract_strided_slice %dot_general3A_5 {offsets = [5120, 0], sizes = [1280, 16], strides = [1, 1]} : vector<10000x16xf32> to vector<1280x16xf32>
    %slice3A_10 = vector.extract_strided_slice %dot_general3A_5 {offsets = [6400, 0], sizes = [1280, 16], strides = [1, 1]} : vector<10000x16xf32> to vector<1280x16xf32>
    %slice3A_11 = vector.extract_strided_slice %dot_general3A_5 {offsets = [7680, 0], sizes = [1280, 16], strides = [1, 1]} : vector<10000x16xf32> to vector<1280x16xf32>
    %slice3A_12 = vector.extract_strided_slice %dot_general3A_5 {offsets = [8960, 0], sizes = [1040, 16], strides = [1, 1]} : vector<10000x16xf32> to vector<1040x16xf32>
    %broadcast_in_dim3A = arith.constant 0.000000e+00 : f32
    %broadcast_in_dim3A_13 = vector.broadcast %broadcast_in_dim3A : f32 to vector<240x16xf32>
    %concatenate3A = tpu.concatenate %slice3A_12, %broadcast_in_dim3A_13 in 0 : vector<1040x16xf32>, vector<240x16xf32> -> vector<1280x16xf32>
    %concatenate3A_14 = tpu.concatenate %slice3A, %slice3A_6, %slice3A_7, %slice3A_8, %slice3A_9, %slice3A_10, %slice3A_11, %concatenate3A in 1 : vector<1280x16xf32>, vector<1280x16xf32>, vector<1280x16xf32>, vector<1280x16xf32>, vector<1280x16xf32>, vector<1280x16xf32>, vector<1280x16xf32>, vector<1280x16xf32> -> vector<1280x128xf32>
    %swap3A = arith.constant 0 : index
    %swap3A_15 = arith.constant 0 : index
    %swap3A_16 = vector.load %arg2[%swap3A, %swap3A_15] : memref<1280x128xf32, #tpu.memory_space<vmem>>, vector<1280x128xf32>
    tpu.vector_store %arg2[%swap3A, %swap3A_15], %concatenate3A_14 {strides = array<i32>} : memref<1280x128xf32, #tpu.memory_space<vmem>>, vector<1280x128xf32>,
    return
  }
}

module attributes {stable_mosaic.version = 14 : i64} {
  func.func @_tc2_body(%arg0: memref<2x1280x128xf32, #tpu.memory_space<vmem>>, %arg1: memref<1280x128xf32, #tpu.memory_space<vmem>>, %arg2: memref<1280x128xf32, #tpu.memory_space<vmem>>, %arg3: memref<1x128xf32, #tpu.memory_space<vmem>>, %arg4: memref<1280x128xf32, #tpu.memory_space<vmem>>) attributes {dimension_semantics = [], scalar_prefetch = 0 : i64, scratch_operands = 0 : i64, tpu.core_type = #tpu.core_type<tc>} {
    %get3A = arith.constant 0 : index
    %get3A_0 = arith.constant 0 : index
    %get3A_1 = arith.constant 0 : index
    %get3A_2 = vector.load %arg0[%get3A, %get3A_0, %get3A_1] : memref<2x1280x128xf32, #tpu.memory_space<vmem>>, vector<1x1280x128xf32>
    %get3A_3 = vector.shape_cast %get3A_2 : vector<1x1280x128xf32> to vector<1280x128xf32>
    %get3A_4 = arith.constant 1 : index
    %get3A_5 = arith.constant 0 : index
    %get3A_6 = arith.constant 0 : index
    %get3A_7 = vector.load %arg0[%get3A_4, %get3A_5, %get3A_6] : memref<2x1280x128xf32, #tpu.memory_space<vmem>>, vector<1x1280x128xf32>
    %get3A_8 = vector.shape_cast %get3A_7 : vector<1x1280x128xf32> to vector<1280x128xf32>
    %add3A = arith.addf %get3A_3, %get3A_8 : vector<1280x128xf32>
    %get3A_9 = arith.constant 0 : index
    %get3A_10 = arith.constant 0 : index
    %get3A_11 = vector.load %arg1[%get3A_9, %get3A_10] : memref<1280x128xf32, #tpu.memory_space<vmem>>, vector<1280x128xf32>
    %add3A_12 = arith.addf %add3A, %get3A_11 : vector<1280x128xf32>
    %get3A_13 = arith.constant 0 : index
    %get3A_14 = arith.constant 0 : index
    %get3A_15 = vector.load %arg2[%get3A_13, %get3A_14] : memref<1280x128xf32, #tpu.memory_space<vmem>>, vector<1280x128xf32>
    %mul3A = arith.mulf %add3A_12, %get3A_15 : vector<1280x128xf32>
    %get3A_16 = arith.constant 0 : index
    %get3A_17 = arith.constant 0 : index
    %get3A_18 = vector.load %arg3[%get3A_16, %get3A_17] : memref<1x128xf32, #tpu.memory_space<vmem>>, vector<1x128xf32>
    %add3A_19 = vector.broadcast %get3A_18 : vector<1x128xf32> to vector<1280x128xf32>
    %add3A_20 = arith.addf %mul3A, %add3A_19 : vector<1280x128xf32>
    %max3A = arith.constant 0.000000e+00 : f32
    %max3A_21 = vector.broadcast %max3A : f32 to vector<1280x128xf32>
    %max3A_22 = arith.maximumf %add3A_20, %max3A_21 : vector<1280x128xf32>
    %get3A_23 = arith.constant 0 : index
    %get3A_24 = arith.constant 0 : index
    %get3A_25 = vector.load %arg2[%get3A_23, %get3A_24] : memref<1280x128xf32, #tpu.memory_space<vmem>>, vector<1280x128xf32>
    %mul3A_26 = arith.mulf %max3A_22, %get3A_25 : vector<1280x128xf32>
    %swap3A = arith.constant 0 : index
    %swap3A_27 = arith.constant 0 : index
    %swap3A_28 = vector.load %arg4[%swap3A, %swap3A_27] : memref<1280x128xf32, #tpu.memory_space<vmem>>, vector<1280x128xf32>
    tpu.vector_store %arg4[%swap3A, %swap3A_27], %mul3A_26 {strides = array<i32>} : memref<1280x128xf32, #tpu.memory_space<vmem>>, vector<1280x128xf32>,
    return
  }
}

module attributes {stable_mosaic.version = 14 : i64} {
  func.func @_tc3_body(%arg0: memref<2x1280x128xf32, #tpu.memory_space<vmem>>, %arg1: memref<1280x128xf32, #tpu.memory_space<vmem>>, %arg2: memref<1280x128xf32, #tpu.memory_space<vmem>>, %arg3: memref<128x16xf32, #tpu.memory_space<vmem>>, %arg4: memref<1x16xf32, #tpu.memory_space<vmem>>, %arg5: memref<1280x16xf32, #tpu.memory_space<vmem>>) attributes {dimension_semantics = [], scalar_prefetch = 0 : i64, scratch_operands = 0 : i64, tpu.core_type = #tpu.core_type<tc>} {
    %get3A = arith.constant 0 : index
    %get3A_0 = arith.constant 0 : index
    %get3A_1 = arith.constant 0 : index
    %get3A_2 = vector.load %arg0[%get3A, %get3A_0, %get3A_1] : memref<2x1280x128xf32, #tpu.memory_space<vmem>>, vector<1x1280x128xf32>
    %get3A_3 = vector.shape_cast %get3A_2 : vector<1x1280x128xf32> to vector<1280x128xf32>
    %get3A_4 = arith.constant 1 : index
    %get3A_5 = arith.constant 0 : index
    %get3A_6 = arith.constant 0 : index
    %get3A_7 = vector.load %arg0[%get3A_4, %get3A_5, %get3A_6] : memref<2x1280x128xf32, #tpu.memory_space<vmem>>, vector<1x1280x128xf32>
    %get3A_8 = vector.shape_cast %get3A_7 : vector<1x1280x128xf32> to vector<1280x128xf32>
    %add3A = arith.addf %get3A_3, %get3A_8 : vector<1280x128xf32>
    %get3A_9 = arith.constant 0 : index
    %get3A_10 = arith.constant 0 : index
    %get3A_11 = vector.load %arg1[%get3A_9, %get3A_10] : memref<1280x128xf32, #tpu.memory_space<vmem>>, vector<1280x128xf32>
    %add3A_12 = arith.addf %add3A, %get3A_11 : vector<1280x128xf32>
    %get3A_13 = arith.constant 0 : index
    %get3A_14 = arith.constant 0 : index
    %get3A_15 = vector.load %arg2[%get3A_13, %get3A_14] : memref<1280x128xf32, #tpu.memory_space<vmem>>, vector<1280x128xf32>
    %mul3A = arith.mulf %add3A_12, %get3A_15 : vector<1280x128xf32>
    %get3A_16 = arith.constant 0 : index
    %get3A_17 = arith.constant 0 : index
    %get3A_18 = vector.load %arg3[%get3A_16, %get3A_17] : memref<128x16xf32, #tpu.memory_space<vmem>>, vector<128x16xf32>
    %dot_general3A = arith.constant dense<0.000000e+00> : vector<1280x16xf32>
    %dot_general3A_19 = tpu.matmul %mul3A, %get3A_18, %dot_general3A {dimension_numbers = #tpu.dot_dimension_numbers<[1], [0], [0], [1], [0, 0, 1, 1], [], []>, transpose_lhs_hint = false} : vector<1280x128xf32>, vector<128x16xf32>, vector<1280x16xf32> -> vector<1280x16xf32>
    %get3A_20 = arith.constant 0 : index
    %get3A_21 = arith.constant 0 : index
    %get3A_22 = vector.load %arg4[%get3A_20, %get3A_21] : memref<1x16xf32, #tpu.memory_space<vmem>>, vector<1x16xf32>
    %add3A_23 = vector.broadcast %get3A_22 : vector<1x16xf32> to vector<1280x16xf32>
    %add3A_24 = arith.addf %dot_general3A_19, %add3A_23 : vector<1280x16xf32>
    %swap3A = arith.constant 0 : index
    %swap3A_25 = arith.constant 0 : index
    %swap3A_26 = vector.load %arg5[%swap3A, %swap3A_25] : memref<1280x16xf32, #tpu.memory_space<vmem>>, vector<1280x16xf32>
    tpu.vector_store %arg5[%swap3A, %swap3A_25], %add3A_24 {strides = array<i32>} : memref<1280x16xf32, #tpu.memory_space<vmem>>, vector<1280x16xf32>,
    return
  }
}

</mosaic_0001>

<sc_bundles>
// kernel: kernel.10.cloned.1.call-start
scs
__scs_entry_jumppad:
0x0: {  	(pc) =	sbr.rel $0x88, $3  }
0x1: {  	(tag) =	ssettag $0x0;
	lr =	simm.s32 $0x1  }
0x2: {  	[smem:$0x3F9B] =	sst lr;
	_ =	strace $0xD0000000  }
0x3: {  	_ = 	snop  }
0x4: {  	_ = 	snop  }
0x5: {  	_ = 	snop  }
0x6: {  	_ = 	snop  }
0x7: {  	_ = 	snop  }
__scs_overlays_trampoline_lowered:
0x8: {  	[smem:$0x3FAA] =	sst s0  }
0x9: {  	[smem:$0x3FAB] =	sst s1  }
0xa: {  	[smem:$0x3FAC] =	sst s2  }
0xb: {  	[smem:$0x3FAD] =	sst s3  }
0xc: {  	[smem:$0x3FAE] =	sst s4  }
0xd: {  	[smem:$0x3FAF] =	sst s5  }
0xe: {  	[smem:$0x3FB0] =	sst s6  }
0xf: {  	[smem:$0x3FB1] =	sst s7  }
0x10: {  	[smem:$0x3FB2] =	sst s8  }
0x11: {  	[smem:$0x3FB3] =	sst s9;
	s0 =	simm.s32 @!p0 $0x0  }
0x12: {  	s1 =	sld [smem:$0x3F99];
	s0 =	simm.s32 @p0 $0x1  }
0x13: {  	[smem:$0x3FB4] =	sst s0;
	s0 =	simm.s32 @!p1 $0x0  }
0x14: {  	s2 =	sld [smem:$0x3F98];
	s0 =	simm.s32 @p1 $0x1  }
0x15: {  	[smem:$0x3FB5] =	sst s0;
	s0 =	simm.s32 @!p2 $0x0  }
0x16: {  	s3 =	sld [smem:$0x3FDB];
	s0 =	simm.s32 @p2 $0x1  }
0x17: {  	s4 =	simm.s32 $0x1BF5;
	[smem:$0x3FB7] =	sst s0  }
0x18: {  	s0 =	sld [smem:$0x3F9A];
	_ =	swait.ge [sflag:s4], $0x0  }
0x19: {  	s7 =	sld [smem:$0x3F9B]  }
0x1a: {  	s8 =	sadd.s32 $0xFFFFE003, lr  }
0x1b: {  	s9 =	sadd.s32 $0xFFFFFEF7, lr;
	s5 =	simm.s32 $0xFFFFFFFF;
	p2 =	slt.u32 s8, $0xFFFFF086  }
0x1c: {  	p1 =	slt.u32 s9, $0xF7A;
	s5 =	simm.s32 @!p2 $0x0  }
0x1d: {  	s5 =	simm.s32 @p1 $0x1;
	p0 =	seq.s32 s7, s2  }
0x1e: {  	s7 =	smul.u32 @!p0 $0xF7A, s2;
	p2 =	seq.s32 @!p0 s5, $0x0  }
0x1f: {  	s9 =	smul.u32 $0xF7A, s1;
	s8 =	simm.s32 @!p0 $0x1BF5;
	p2 =	por !p2, p0  }
0x20: {  	[sflag:s8] =	ssyncset.s32 @!p0 $0xFFFFF086;
	s6 =	sadd.s32 @!p0 s3, s7;
	s7 =	simm.s32 @!p0 $0x108  }
0x21: {  	s3 =	sadd.s32 s3, s9;
	s6 =	sadd.s32 @!p0 $0x88, s6;
	s7 =	simm.s32 @p2 $0x1082  }
0x22: {  	[simem:s7], [sflag:s8] =	dma.local @!p0 [hbm:s6], $0xF7A  }
0x23: {  	s9 =	sor.u32 $0xD0000000, s2;
	s6 =	simm.s32 $0x108;
	_ =	swait.ge @!p0 [sflag:s8], $0x0  }
0x24: {  	s3 =	sadd.s32 $0x88, s3;
	s6 =	simm.s32 @!p1 $0x1082;
	[sflag:s4] =	ssyncset.s32 $0xFFFFF086  }
0x25: {  	[simem:s6], [sflag:s4] =	dma.local [hbm:s3], $0xF7A  }
0x26: {  	[smem:$0x3F9B] =	sst s1;
	(tag) =	ssettag s2;
	_ =	strace s9  }
0x27: {  	s1 =	sld [smem:$0x3FAB]  }
0x28: {  	s2 =	sld [smem:$0x3FAC]  }
0x29: {  	s4 =	sld [smem:$0x3FAE]  }
0x2a: {  	p0 =	seq.s32 s5, $0x0;
	s5 =	sld [smem:$0x3FAF]  }
0x2b: {  	s6 =	sld [smem:$0x3FB0]  }
0x2c: {  	s7 =	sld [smem:$0x3FB1]  }
0x2d: {  	s3 =	simm.s32 $0x108;
	s8 =	sld [smem:$0x3FB2]  }
0x2e: {  	s3 =	simm.s32 @!p0 $0x1082;
	s9 =	sld [smem:$0x3FB3]  }
0x2f: {  	lr =	sadd.s32 s0, s3;
	s0 =	sld [smem:$0x3FAA]  }
0x30: {  	s3 =	sld [smem:$0x3FAD]  }
0x31: {  	[smem:$0x3FB6] =	sst s10  }
0x32: {  	s10 =	sld [smem:$0x3FB4];
	_ =	sdelay $0x3  }
0x33: {  	p0 =	seq.s32 s10, $0x1;
	s10 =	sld [smem:$0x3FB6];
	_ =	sdelay $0x3  }
0x34: {  	[smem:$0x3FB6] =	sst s10  }
0x35: {  	s10 =	sld [smem:$0x3FB5];
	_ =	sdelay $0x3  }
0x36: {  	p1 =	seq.s32 s10, $0x1;
	s10 =	sld [smem:$0x3FB6];
	_ =	sdelay $0x3  }
0x37: {  	[smem:$0x3FB6] =	sst s10  }
0x38: {  	s10 =	sld [smem:$0x3FB7]  }
0x39: {  	_ = 	snop;
	(pc) =	sbr.ind lr, $3  }
0x3a: {  	_ = 	snop  }
0x3b: {  	_ = 	snop  }
0x3c: {  	p2 =	seq.s32 s10, $0x1;
	s10 =	sld [smem:$0x3FB6]  }
0x3d: {  	_ =	shalt  }
0x3e: {  	_ =	shalt  }
0x3f: {  	_ =	shalt  }
0x40: {  	_ =	shalt  }
0x41: {  	_ =	shalt  }
0x42: {  	_ =	shalt  }
0x43: {  	_ =	shalt  }
0x44: {  	_ =	shalt  }
0x45: {  	_ =	shalt  }
0x46: {  	_ =	shalt  }
0x47: {  	_ =	shalt  }
0x48: {  	_ =	shalt  }
0x49: {  	_ =	shalt  }
0x4a: {  	_ =	shalt  }
0x4b: {  	_ =	shalt  }
0x4c: {  	_ =	shalt  }
0x4d: {  	_ =	shalt  }
0x4e: {  	_ =	shalt  }
0x4f: {  	_ =	shalt  }
0x50: {  	_ =	shalt  }
0x51: {  	_ =	shalt  }
0x52: {  	_ =	shalt  }
0x53: {  	_ =	shalt  }
0x54: {  	_ =	shalt  }
0x55: {  	_ =	shalt  }
0x56: {  	_ =	shalt  }
0x57: {  	_ =	shalt  }
0x58: {  	_ =	shalt  }
0x59: {  	_ =	shalt  }
0x5a: {  	_ =	shalt  }
0x5b: {  	_ =	shalt  }
0x5c: {  	_ =	shalt  }
0x5d: {  	_ =	shalt  }
0x5e: {  	_ =	shalt  }
0x5f: {  	_ =	shalt  }
0x60: {  	_ =	shalt  }
0x61: {  	_ =	shalt  }
0x62: {  	_ =	shalt  }
0x63: {  	_ =	shalt  }
0x64: {  	_ =	shalt  }
0x65: {  	_ =	shalt  }
0x66: {  	_ =	shalt  }
0x67: {  	_ =	shalt  }
0x68: {  	_ =	shalt  }
0x69: {  	_ =	shalt  }
0x6a: {  	_ =	shalt  }
0x6b: {  	_ =	shalt  }
0x6c: {  	_ =	shalt  }
0x6d: {  	_ =	shalt  }
0x6e: {  	_ =	shalt  }
0x6f: {  	_ =	shalt  }
0x70: {  	_ =	shalt  }
0x71: {  	_ =	shalt  }
0x72: {  	_ =	shalt  }
0x73: {  	_ =	shalt  }
0x74: {  	_ =	shalt  }
0x75: {  	_ =	shalt  }
0x76: {  	_ =	shalt  }
0x77: {  	_ =	shalt  }
0x78: {  	_ =	shalt  }
0x79: {  	_ =	shalt  }
0x7a: {  	_ =	shalt  }
0x7b: {  	_ =	shalt  }
0x7c: {  	_ =	shalt  }
0x7d: {  	_ =	shalt  }
0x7e: {  	_ =	shalt  }
0x7f: {  	_ =	shalt  }
0x80: {  	_ =	shalt  }
0x81: {  	_ =	shalt  }
0x82: {  	_ =	shalt  }
0x83: {  	_ =	shalt  }
0x84: {  	_ =	shalt  }
0x85: {  	_ =	shalt  }
0x86: {  	_ =	shalt  }
0x87: {  	_ =	shalt  }
.Lfunc_end0:
.L_simem_size_0:
called_computation_lowered:
.L_overlay_start_0:
0x88: {  	s2 =	sld [smem:$0x3FD9]  }
0x89: {  	s3 =	sld [smem:$0x3FFE];
	_ =	sdelay $0x1  }
0x8a: {  	s1 =	srdreg.scid  }
0x8b: {  	s0 =	sand.u32 $0x1, s1  }
0x8c: {  	s17 =	sshll.u32 s0, $0xA;
	s2 =	sadd.s32 s3, s2  }
0x8d: {  	s2 =	sadd.s32 s2, s17  }
0x8e: {  	[smem:$0x3FC2] =	sst s2  }
0x8f: {  	_ = 	snop  }
0x90: {  	s2 =	sld [smem:$0x3FD0];
	(tm) =	ssettm $0x1  }
0x91: {  	s18 =	sld [smem:$0x3FFB];
	_ =	sdelay $0x3  }
0x92: {  	_ =	strace s18  }
0x93: {  	s3 =	sld [smem:$0x3FFC];
	_ =	sdelay $0x3  }
0x94: {  	_ =	strace s3  }
0x95: {  	s3 =	sld [smem:$0x3FFD];
	_ =	sdelay $0x3  }
0x96: {  	_ =	strace s3  }
0x97: {  	_ =	strace $0x8FFFFFFF  }
0x98: {  	s19 =	sld [smem:$0x3FDB];
	_ =	sdelay $0x1  }
0x99: {  	s4 =	simm.s32 $_scs_section_size  }
0x9a: {  	s5 =	simm.s32 $_size__tile_overlayer_lowered;
	s6 =	simm.s32 $_tile_overlayer_lowered  }
0x9b: {  	s22 =	simm.s32 $0x1BFF;
	s21 =	sshll.u32 s6, $0x1;
	s3 =	sadd.s32 s4, s19  }
0x9c: {  	s7 =	simm.s32 $0x0;
	s20 =	sshll.u32 s5, $0x1;
	s5 =	sadd.s32 s21, s3  }
0x9d: {  	[timem:s7], [sflag:s22] =	dma.local [hbm:s5], s20  }
0x9e: {  	_ =	swait.ge [sflag:s22], s20  }
0x9f: {  	s4 =	ssub.s32 $0x0, s20;
	[sflag:s22] =	ssyncset.done $0x0  }
0xa0: {  	[sflag:s22] =	ssyncadd.s32 s4;
	_ =	sdelay $0x1  }
0xa1: {  	s23 =	simm.s32 $0x1B8B  }
0xa2: {  	_ =	swait.ge [sflag:s23], $0x1  }
0xa3: {  	[sflag:s23] =	ssyncset.done $0x0  }
0xa4: {  	s25 =	simm.s32 $0x1B8E;
	s24 =	sld [smem:$0x3FFE];
	[sflag:s23] =	ssyncadd.s32 $0xFFFFFFFF  }
0xa5: {  	s26 =	simm.s32 $execute0_lowered;
	[smem:$0x3FD2] =	sst s25  }
0xa6: {  	s5 =	sshll.u32 s26, $0x1;
	_ =	strace $0x80000046;
	[dreg:$0x1] =	wrdreg $0xFFFFFFFF  }
0xa7: {  	s28 =	simm.s32 $_size_execute0_lowered;
	s3 =	sadd.s32 s3, s5;
	[dreg:$0x0] =	wrdreg $0x0  }
0xa8: {  	s5 =	sshll.u32 s28, $0x1;
	[dreg:$0x2] =	wrdreg s3  }
0xa9: {  	[dreg:$0x3] =	wrdreg s5  }
0xaa: {  	[dreg:$0x4] =	wrdreg $0xC0  }
0xab: {  	_ =	task [dreg:s7], $0x5FFFF  }
0xac: {  	[dreg:$0x1] =	wrdreg $0xFFFFFFFF  }
0xad: {  	[dreg:$0x0] =	wrdreg $0x60  }
0xae: {  	[dreg:$0x2] =	wrdreg s24  }
0xaf: {  	[dreg:$0x3] =	wrdreg s2  }
0xb0: {  	[dreg:$0x4] =	wrdreg $0x2C100  }
0xb1: {  	[dreg:$0x5] =	wrdreg $0x9  }
0xb2: {  	_ =	task.clear_ibuf [dreg:s7], $0x6FFFF;
	_ =	strace $0x90000046  }
0xb3: {  	s29 =	simm.s32 $0x9;
	_ =	strace $0x80000048  }
0xb4: {  	_ =	swait.ge [sflag:s29], $0x1  }
0xb5: {  	[sflag:s29] =	ssyncadd.s32 $0xFFFFFFFF  }
0xb6: {  	_ =	strace $0x90000048  }
0xb7: {  	_ =	sfence  }
0xb8: {  	s30 =	sld [smem:$0x0];
	_ =	sdelay $0x2  }
0xb9: {  	s31 =	sshll.u32 s1, $0xD;
	s1 =	sshrl.u32 s1, $0x2  }
0xba: {  	s3 =	sand.u32 $0x4000, s31;
	s1 =	sadd.s32 s1, s30  }
0xbb: {  	s0 =	sor.u32 s3, s0;
	s1 =	sshll.u32 s1, $0x11  }
0xbc: {  	s0 =	sor.u32 s1, s0  }
0xbd: {  	s0 =	sadd.s32 $0x8F2B, s0  }
0xbe: {  	[sflag:s0] =	ssyncadd.remote.s32 $0x1  }
0xbf: {  	_ =	sfence.sel $0xFFFF  }
0xc0: {  	[dreg:$0x0] =	wrdreg $0xFFFFFFFF;
	(pc) =	sbr.abs _section_cstart, $3  }
0xc1: {  	[dreg:$0x1] =	wrdreg $0xFFFFFFFF  }
0xc2: {  	_ =	task.clear_ibuf [dreg:s7], $0x2FFFF;
	_ =	strace $0x9FFFFFFF  }
0xc3: {  	(tm) =	ssettm $0x7FFFFFFF  }
tec
execute0_lowered:
.L_overlay_start_1:
0x0: {  	(tag) =	ssettag $0x1  }
0x1: {  	s6 =	rddreg [dreg:$0x0]  }
0x2: {  	s2 =	rddreg [dreg:$0x1];
	s1 =	srdreg.scid  }
0x3: {  	s0 =	stileid.u32;
	s3 =	rddreg [dreg:$0x2]  }
0x4: {  	s4 =	simm.s32 $0x0;
	s12 =	simm.s32 $0x50;
	s13 =	simm.s32 $0x1  }
0x5: {  	s5 =	sand.u32 $0x1, s1;
	s7 =	sshll.u32 s0, $0x1;
	s1 =	rddreg [dreg:$0x3]  }
0x6: {  	[smem:$0x7FF] =	sst s4;
	s10 =	smul.u32 $0x2800, s0;
	s31 =	sshll.u32 s0, $0x6  }
0x7: {  	s7 =	sor.u32 s5, s7;
	_ =	strace $0x80000047;
	s8 =	smul.u32 $0x5000, s5  }
0x8: {  	s9 =	ssub.s32 $0x2, s5;
	s5 =	sadd.s32 $0x17000, s6;
	s7 =	smul.u32 $0x4E2, s7  }
0x9: {  	s30 =	sshrl.u32 s9, $0x1;
	s11 =	sadd.s32 s10, s3;
	s15 =	sshrl.u32 s10, $0x3  }
0xa: {  	s10 =	simm.s32 $0x2;
	s8 =	sadd.s32 s8, s6;
	s9 =	ssub.s32 s9, s30  }
0xb: {  	s7 =	sadd.s32 s7, s6;
	s6 =	sor.u32 $0x1C02, s31;
	s14 =	sadd.s32 $0x17200, s8  }
0xc: {  	s8 =	smax.u32 s9, $0x1;
	s9 =	sshrl.u32 s11, $0x3;
	s11 =	simm.s32 $0x2710  }
0xd: {  	s7 =	sadd.s32 $0x3400, s7;
	s14 =	sadd.s32 s15, s14;
	s15 =	simm.s32 $0x0  }
.LBB2_1:
0xe: {  	[spmem:s9], [sflag:s6] =	dma.local [hbm:s2], $0x500  }
0xf: {  	_ =	swait.ge [sflag:s10], $0x500  }
0x10: {  	[sflag:s10] =	ssyncset.done $0x0  }
0x11: {  	[sflag:s10] =	ssyncadd.s32 $0xFFFFFB00  }
0x12: {  	[tilespmem:s4], [sflag:$0x2] =	stream.linear.gather [hbm4b:s7+s4], $0x2710, $0x38;
	[tilespmem:$0x5410] =	vst v63  }
0x13: {  	_ =	swait.ge [sflag:s10], $0x2710  }
0x14: {  	[sflag:s10] =	ssyncset.done $0x0  }
0x15: {  	[sflag:s10] =	ssyncadd.s32 $0xFFFFD8F0  }
0x16: {  	[tilespmem:s11], [sflag:$0x2] =	stream.linear.gather [hbm4b:s5+s4], $0x500, $0x38;
	[tilespmem:$0x5410] =	vst v63  }
0x17: {  	_ =	swait.ge [sflag:s10], $0x500  }
0x18: {  	[sflag:s10] =	ssyncset.done $0x0  }
0x19: {  	[sflag:s10] =	ssyncadd.s32 $0xFFFFFB00  }
0x1a: {  	s16 =	simm.s32 $0x0;
	[bflag:$0x0] =	sbarrier.arrive $0xFFFF  }
.LBB2_2:
0x1b: {  	p0 =	sne.s32 s16, $0x9B00  }
.Ltmp0:
0x1c: {  	_ = 	snop;
	(pc) =	sbr.rel @p0 .LBB2_2-.Ltmp0, $3  }
0x1d: {  	_ =	sdelay $0x1  }
0x1e: {  	s17 =	sshra.s32 s16, $0x2;
	s16 =	sadd.s32 $0x140, s16  }
0x1f: {  	[spmem:s3] =	stream.indirect.scatter.add.f32 [tilespmem:s11], [sflag:$0x1], $0x10, s17, s12, $0xb8;
	[tilespmem:$0x5410] =	vst v63  }
0x20: {  	_ =	swait.ge [sflag:s13], $0x500  }
0x21: {  	s16 =	simm.s32 $0x7C;
	[sflag:s13] =	ssyncset.done $0x0  }
.LBB2_4:
0x22: {  	p0 =	sne.s32 s16, $0x1;
	s16 =	sadd.s32 $0xFFFFFFFF, s16;
	[sflag:s13] =	ssyncadd.s32 $0xFFFFFB00  }
.Ltmp1:
0x23: {  	(pc) =	sbr.rel @p0 .LBB2_4-.Ltmp1, $3  }
0x24: {  	_ =	sdelay $0x1  }
0x25: {  	_ =	swait.ge [sflag:s13], $0x500  }
0x26: {  	[sflag:s13] =	ssyncset.done $0x0  }
0x27: {  	s15 =	sadd.s32 $0x1, s15  }
0x28: {  	[sflag:s13] =	ssyncadd.s32 $0xFFFFFB00;
	p0 =	sne.s32 s15, s8  }
.Ltmp2:
0x29: {  	[bflag:$0x0] =	sbarrier.arrive $0xFFFF;
	(pc) =	sbr.rel @p0 .LBB2_1-.Ltmp2, $4  }
0x2a: {  	[hbm:s14], [sflag:s6] =	dma.local [spmem:s9], $0x500  }
0x2b: {  	_ =	swait.ge [sflag:s10], $0x500  }
0x2c: {  	[sflag:s10] =	ssyncset.done $0x0  }
0x2d: {  	[sflag:s10] =	ssyncadd.s32 $0xFFFFFB00  }
0x2e: {  	_ =	sfence.sel $0x180000  }
0x2f: {  	[bflag:$0x0] =	sbarrier.arrive $0xFFFF  }
0x30: {  	p0 =	sne.s32 s0, $0x0;
	_ =	strace $0x90000047  }
0x31: {  	s0 =	sadd.s32 @!p0 $0x100000, s1;
	[bflag:$0x2] =	sbarrier.arrive $0xFFFF  }
0x32: {  	[sflag:s0] =	ssyncadd.tile.s32 @!p0 $0x1;
	_ =	shalt  }
.Lfunc_end2:
_tile_overlayer_lowered:
.L_overlay_start_2:
0x33: {  	(tag) =	ssettag $0x2  }
0x34: {  	s0 =	rddreg [dreg:$0x0];
	s2 =	stileid.u32  }
0x35: {  	s1 =	rddreg [dreg:$0x1];
	p0 =	sne.s32 s2, $0x0  }
0x36: {  	s3 =	rddreg [dreg:$0x2];
	[bflag:$0x3] =	sbarrier.arrive $0xFFFF;
	s2 =	simm.s32 @!p0 $0x1C02  }
0x37: {  	[timem:s3], [sflag:s2] =	dma.local @!p0 [hbm:s0], s1  }
0x38: {  	s0 =	simm.s32 @!p0 $0x2  }
0x39: {  	_ =	swait.ge @!p0 [sflag:s0], s1  }
0x3a: {  	s1 =	ssub.s32 @!p0 $0x0, s1;
	[sflag:s0] =	ssyncset.done @!p0 $0x0  }
0x3b: {  	[sflag:s0] =	ssyncadd.s32 @!p0 s1  }
0x3c: {  	[bflag:$0x3] =	sbarrier.arrive $0xFFFF  }
0x3d: {  	_ =	shalt  }

// kernel: kernel.13.cloned.1.call-start
scs
__scs_entry_jumppad:
0x0: {  	(pc) =	sbr.rel $0x88, $3  }
0x1: {  	(tag) =	ssettag $0x0;
	lr =	simm.s32 $0x1  }
0x2: {  	[smem:$0x3F9B] =	sst lr;
	_ =	strace $0xD0000000  }
0x3: {  	_ = 	snop  }
0x4: {  	_ = 	snop  }
0x5: {  	_ = 	snop  }
0x6: {  	_ = 	snop  }
0x7: {  	_ = 	snop  }
__scs_overlays_trampoline_lowered:
0x8: {  	[smem:$0x3FAA] =	sst s0  }
0x9: {  	[smem:$0x3FAB] =	sst s1  }
0xa: {  	[smem:$0x3FAC] =	sst s2  }
0xb: {  	[smem:$0x3FAD] =	sst s3  }
0xc: {  	[smem:$0x3FAE] =	sst s4  }
0xd: {  	[smem:$0x3FAF] =	sst s5  }
0xe: {  	[smem:$0x3FB0] =	sst s6  }
0xf: {  	[smem:$0x3FB1] =	sst s7  }
0x10: {  	[smem:$0x3FB2] =	sst s8  }
0x11: {  	[smem:$0x3FB3] =	sst s9;
	s0 =	simm.s32 @!p0 $0x0  }
0x12: {  	s1 =	sld [smem:$0x3F99];
	s0 =	simm.s32 @p0 $0x1  }
0x13: {  	[smem:$0x3FB4] =	sst s0;
	s0 =	simm.s32 @!p1 $0x0  }
0x14: {  	s2 =	sld [smem:$0x3F98];
	s0 =	simm.s32 @p1 $0x1  }
0x15: {  	[smem:$0x3FB5] =	sst s0;
	s0 =	simm.s32 @!p2 $0x0  }
0x16: {  	s3 =	sld [smem:$0x3FDB];
	s0 =	simm.s32 @p2 $0x1  }
0x17: {  	s4 =	simm.s32 $0x1BF5;
	[smem:$0x3FB7] =	sst s0  }
0x18: {  	s0 =	sld [smem:$0x3F9A];
	_ =	swait.ge [sflag:s4], $0x0  }
0x19: {  	s7 =	sld [smem:$0x3F9B]  }
0x1a: {  	s8 =	sadd.s32 $0xFFFFE003, lr  }
0x1b: {  	s9 =	sadd.s32 $0xFFFFFEF7, lr;
	s5 =	simm.s32 $0xFFFFFFFF;
	p2 =	slt.u32 s8, $0xFFFFF086  }
0x1c: {  	p1 =	slt.u32 s9, $0xF7A;
	s5 =	simm.s32 @!p2 $0x0  }
0x1d: {  	s5 =	simm.s32 @p1 $0x1;
	p0 =	seq.s32 s7, s2  }
0x1e: {  	s7 =	smul.u32 @!p0 $0xF7A, s2;
	p2 =	seq.s32 @!p0 s5, $0x0  }
0x1f: {  	s9 =	smul.u32 $0xF7A, s1;
	s8 =	simm.s32 @!p0 $0x1BF5;
	p2 =	por !p2, p0  }
0x20: {  	[sflag:s8] =	ssyncset.s32 @!p0 $0xFFFFF086;
	s6 =	sadd.s32 @!p0 s3, s7;
	s7 =	simm.s32 @!p0 $0x108  }
0x21: {  	s3 =	sadd.s32 s3, s9;
	s6 =	sadd.s32 @!p0 $0x88, s6;
	s7 =	simm.s32 @p2 $0x1082  }
0x22: {  	[simem:s7], [sflag:s8] =	dma.local @!p0 [hbm:s6], $0xF7A  }
0x23: {  	s9 =	sor.u32 $0xD0000000, s2;
	s6 =	simm.s32 $0x108;
	_ =	swait.ge @!p0 [sflag:s8], $0x0  }
0x24: {  	s3 =	sadd.s32 $0x88, s3;
	s6 =	simm.s32 @!p1 $0x1082;
	[sflag:s4] =	ssyncset.s32 $0xFFFFF086  }
0x25: {  	[simem:s6], [sflag:s4] =	dma.local [hbm:s3], $0xF7A  }
0x26: {  	[smem:$0x3F9B] =	sst s1;
	(tag) =	ssettag s2;
	_ =	strace s9  }
0x27: {  	s1 =	sld [smem:$0x3FAB]  }
0x28: {  	s2 =	sld [smem:$0x3FAC]  }
0x29: {  	s4 =	sld [smem:$0x3FAE]  }
0x2a: {  	p0 =	seq.s32 s5, $0x0;
	s5 =	sld [smem:$0x3FAF]  }
0x2b: {  	s6 =	sld [smem:$0x3FB0]  }
0x2c: {  	s7 =	sld [smem:$0x3FB1]  }
0x2d: {  	s3 =	simm.s32 $0x108;
	s8 =	sld [smem:$0x3FB2]  }
0x2e: {  	s3 =	simm.s32 @!p0 $0x1082;
	s9 =	sld [smem:$0x3FB3]  }
0x2f: {  	lr =	sadd.s32 s0, s3;
	s0 =	sld [smem:$0x3FAA]  }
0x30: {  	s3 =	sld [smem:$0x3FAD]  }
0x31: {  	[smem:$0x3FB6] =	sst s10  }
0x32: {  	s10 =	sld [smem:$0x3FB4];
	_ =	sdelay $0x3  }
0x33: {  	p0 =	seq.s32 s10, $0x1;
	s10 =	sld [smem:$0x3FB6];
	_ =	sdelay $0x3  }
0x34: {  	[smem:$0x3FB6] =	sst s10  }
0x35: {  	s10 =	sld [smem:$0x3FB5];
	_ =	sdelay $0x3  }
0x36: {  	p1 =	seq.s32 s10, $0x1;
	s10 =	sld [smem:$0x3FB6];
	_ =	sdelay $0x3  }
0x37: {  	[smem:$0x3FB6] =	sst s10  }
0x38: {  	s10 =	sld [smem:$0x3FB7]  }
0x39: {  	_ = 	snop;
	(pc) =	sbr.ind lr, $3  }
0x3a: {  	_ = 	snop  }
0x3b: {  	_ = 	snop  }
0x3c: {  	p2 =	seq.s32 s10, $0x1;
	s10 =	sld [smem:$0x3FB6]  }
0x3d: {  	_ =	shalt  }
0x3e: {  	_ =	shalt  }
0x3f: {  	_ =	shalt  }
0x40: {  	_ =	shalt  }
0x41: {  	_ =	shalt  }
0x42: {  	_ =	shalt  }
0x43: {  	_ =	shalt  }
0x44: {  	_ =	shalt  }
0x45: {  	_ =	shalt  }
0x46: {  	_ =	shalt  }
0x47: {  	_ =	shalt  }
0x48: {  	_ =	shalt  }
0x49: {  	_ =	shalt  }
0x4a: {  	_ =	shalt  }
0x4b: {  	_ =	shalt  }
0x4c: {  	_ =	shalt  }
0x4d: {  	_ =	shalt  }
0x4e: {  	_ =	shalt  }
0x4f: {  	_ =	shalt  }
0x50: {  	_ =	shalt  }
0x51: {  	_ =	shalt  }
0x52: {  	_ =	shalt  }
0x53: {  	_ =	shalt  }
0x54: {  	_ =	shalt  }
0x55: {  	_ =	shalt  }
0x56: {  	_ =	shalt  }
0x57: {  	_ =	shalt  }
0x58: {  	_ =	shalt  }
0x59: {  	_ =	shalt  }
0x5a: {  	_ =	shalt  }
0x5b: {  	_ =	shalt  }
0x5c: {  	_ =	shalt  }
0x5d: {  	_ =	shalt  }
0x5e: {  	_ =	shalt  }
0x5f: {  	_ =	shalt  }
0x60: {  	_ =	shalt  }
0x61: {  	_ =	shalt  }
0x62: {  	_ =	shalt  }
0x63: {  	_ =	shalt  }
0x64: {  	_ =	shalt  }
0x65: {  	_ =	shalt  }
0x66: {  	_ =	shalt  }
0x67: {  	_ =	shalt  }
0x68: {  	_ =	shalt  }
0x69: {  	_ =	shalt  }
0x6a: {  	_ =	shalt  }
0x6b: {  	_ =	shalt  }
0x6c: {  	_ =	shalt  }
0x6d: {  	_ =	shalt  }
0x6e: {  	_ =	shalt  }
0x6f: {  	_ =	shalt  }
0x70: {  	_ =	shalt  }
0x71: {  	_ =	shalt  }
0x72: {  	_ =	shalt  }
0x73: {  	_ =	shalt  }
0x74: {  	_ =	shalt  }
0x75: {  	_ =	shalt  }
0x76: {  	_ =	shalt  }
0x77: {  	_ =	shalt  }
0x78: {  	_ =	shalt  }
0x79: {  	_ =	shalt  }
0x7a: {  	_ =	shalt  }
0x7b: {  	_ =	shalt  }
0x7c: {  	_ =	shalt  }
0x7d: {  	_ =	shalt  }
0x7e: {  	_ =	shalt  }
0x7f: {  	_ =	shalt  }
0x80: {  	_ =	shalt  }
0x81: {  	_ =	shalt  }
0x82: {  	_ =	shalt  }
0x83: {  	_ =	shalt  }
0x84: {  	_ =	shalt  }
0x85: {  	_ =	shalt  }
0x86: {  	_ =	shalt  }
0x87: {  	_ =	shalt  }
.Lfunc_end0:
.L_simem_size_0:
called_computation.1_lowered:
.L_overlay_start_0:
0x88: {  	s2 =	sld [smem:$0x3FD9]  }
0x89: {  	s3 =	sld [smem:$0x3FFE];
	_ =	sdelay $0x1  }
0x8a: {  	s1 =	srdreg.scid  }
0x8b: {  	s0 =	sand.u32 $0x1, s1  }
0x8c: {  	s17 =	sshll.u32 s0, $0xA;
	s2 =	sadd.s32 s3, s2  }
0x8d: {  	s2 =	sadd.s32 s2, s17  }
0x8e: {  	[smem:$0x3FC2] =	sst s2  }
0x8f: {  	_ = 	snop  }
0x90: {  	s2 =	sld [smem:$0x3FD0];
	(tm) =	ssettm $0x1  }
0x91: {  	s18 =	sld [smem:$0x3FFB];
	_ =	sdelay $0x3  }
0x92: {  	_ =	strace s18  }
0x93: {  	s3 =	sld [smem:$0x3FFC];
	_ =	sdelay $0x3  }
0x94: {  	_ =	strace s3  }
0x95: {  	s3 =	sld [smem:$0x3FFD];
	_ =	sdelay $0x3  }
0x96: {  	_ =	strace s3  }
0x97: {  	_ =	strace $0x8FFFFFFF  }
0x98: {  	s19 =	sld [smem:$0x3FDB];
	_ =	sdelay $0x1  }
0x99: {  	s4 =	simm.s32 $_scs_section_size  }
0x9a: {  	s5 =	simm.s32 $_size__tile_overlayer_lowered;
	s6 =	simm.s32 $_tile_overlayer_lowered  }
0x9b: {  	s22 =	simm.s32 $0x1BFF;
	s21 =	sshll.u32 s6, $0x1;
	s3 =	sadd.s32 s4, s19  }
0x9c: {  	s7 =	simm.s32 $0x0;
	s20 =	sshll.u32 s5, $0x1;
	s5 =	sadd.s32 s21, s3  }
0x9d: {  	[timem:s7], [sflag:s22] =	dma.local [hbm:s5], s20  }
0x9e: {  	_ =	swait.ge [sflag:s22], s20  }
0x9f: {  	s4 =	ssub.s32 $0x0, s20;
	[sflag:s22] =	ssyncset.done $0x0  }
0xa0: {  	[sflag:s22] =	ssyncadd.s32 s4;
	_ =	sdelay $0x1  }
0xa1: {  	s23 =	simm.s32 $0x1B8B  }
0xa2: {  	_ =	swait.ge [sflag:s23], $0x1  }
0xa3: {  	[sflag:s23] =	ssyncset.done $0x0  }
0xa4: {  	s25 =	simm.s32 $0x1B8E;
	s24 =	sld [smem:$0x3FFE];
	[sflag:s23] =	ssyncadd.s32 $0xFFFFFFFF  }
0xa5: {  	s26 =	simm.s32 $execute0_lowered;
	[smem:$0x3FD2] =	sst s25  }
0xa6: {  	s5 =	sshll.u32 s26, $0x1;
	_ =	strace $0x80000049;
	[dreg:$0x1] =	wrdreg $0xFFFFFFFF  }
0xa7: {  	s28 =	simm.s32 $_size_execute0_lowered;
	s3 =	sadd.s32 s3, s5;
	[dreg:$0x0] =	wrdreg $0x0  }
0xa8: {  	s5 =	sshll.u32 s28, $0x1;
	[dreg:$0x2] =	wrdreg s3  }
0xa9: {  	[dreg:$0x3] =	wrdreg s5  }
0xaa: {  	[dreg:$0x4] =	wrdreg $0xC0  }
0xab: {  	_ =	task [dreg:s7], $0x5FFFF  }
0xac: {  	[dreg:$0x1] =	wrdreg $0xFFFFFFFF  }
0xad: {  	[dreg:$0x0] =	wrdreg $0x60  }
0xae: {  	[dreg:$0x2] =	wrdreg s24  }
0xaf: {  	[dreg:$0x3] =	wrdreg s2  }
0xb0: {  	[dreg:$0x4] =	wrdreg $0x9E200  }
0xb1: {  	[dreg:$0x5] =	wrdreg $0xC6200  }
0xb2: {  	[dreg:$0x6] =	wrdreg $0x9  }
0xb3: {  	_ =	task.clear_ibuf [dreg:s7], $0x7FFFF;
	_ =	strace $0x90000049  }
0xb4: {  	s29 =	simm.s32 $0x9;
	_ =	strace $0x8000004B  }
0xb5: {  	_ =	swait.ge [sflag:s29], $0x1  }
0xb6: {  	[sflag:s29] =	ssyncadd.s32 $0xFFFFFFFF  }
0xb7: {  	_ =	strace $0x9000004B  }
0xb8: {  	_ =	sfence  }
0xb9: {  	s30 =	sld [smem:$0x0];
	_ =	sdelay $0x2  }
0xba: {  	s31 =	sshll.u32 s1, $0xD;
	s1 =	sshrl.u32 s1, $0x2  }
0xbb: {  	s3 =	sand.u32 $0x4000, s31;
	s1 =	sadd.s32 s1, s30  }
0xbc: {  	s0 =	sor.u32 s3, s0;
	s1 =	sshll.u32 s1, $0x11  }
0xbd: {  	s0 =	sor.u32 s1, s0  }
0xbe: {  	s0 =	sadd.s32 $0x8F2B, s0  }
0xbf: {  	[sflag:s0] =	ssyncadd.remote.s32 $0x1  }
0xc0: {  	_ =	sfence.sel $0xFFFF  }
0xc1: {  	[dreg:$0x0] =	wrdreg $0xFFFFFFFF;
	(pc) =	sbr.abs _section_cstart, $3  }
0xc2: {  	[dreg:$0x1] =	wrdreg $0xFFFFFFFF  }
0xc3: {  	_ =	task.clear_ibuf [dreg:s7], $0x2FFFF;
	_ =	strace $0x9FFFFFFF  }
0xc4: {  	(tm) =	ssettm $0x7FFFFFFF  }
0xc5: {  	_ =	shalt  }
tec
execute0_lowered:
.L_overlay_start_1:
0x0: {  	(tag) =	ssettag $0x1  }
0x1: {  	s0 =	rddreg [dreg:$0x0]  }
0x2: {  	s3 =	rddreg [dreg:$0x2]  }
0x3: {  	s4 =	rddreg [dreg:$0x3]  }
0x4: {  	s10 =	stileid.u32;
	s1 =	srdreg.scid  }
0x5: {  	s5 =	simm.s32 $0x0;
	s12 =	simm.s32 $0x3;
	s15 =	simm.s32 $0x50  }
0x6: {  	s21 =	simm.s32 $0x5D20;
	s29 =	simm.s32 $0x6C20;
	s31 =	simm.s32 $0x7120  }
0x7: {  	s18 =	simm.s32 $0x7B20;
	s22 =	simm.s32 $0x8020;
	s28 =	simm.s32 $0x8520  }
0x8: {  	s20 =	simm.s32 $0x0;
	s1 =	sand.u32 $0x1, s1;
	s2 =	sshll.u32 s10, $0x1  }
0x9: {  	s7 =	smul.u32 $0x2800, s10;
	[smem:$0x7FF] =	sst s5;
	s10 =	sshll.u32 s10, $0x6  }
0xa: {  	s2 =	sor.u32 s1, s2;
	_ =	strace $0x8000004A;
	s6 =	smul.u32 $0x5000, s1  }
0xb: {  	s1 =	ssub.s32 $0x2, s1;
	s2 =	smul.u32 $0x4E2, s2;
	s8 =	sshrl.u32 s7, $0x3  }
0xc: {  	s23 =	sshrl.u32 s1, $0x1;
	s11 =	sadd.s32 s7, s3;
	s25 =	sadd.s32 s7, s4  }
0xd: {  	s9 =	sadd.s32 s8, s0;
	s1 =	ssub.s32 s1, s23;
	s11 =	sshrl.u32 s11, $0x3  }
0xe: {  	s30 =	sshrl.u32 s25, $0x3;
	s23 =	simm.s32 $0x6220;
	s25 =	simm.s32 $0x1  }
0xf: {  	s2 =	sadd.s32 s2, s0;
	s26 =	sadd.s32 $0x17000, s9;
	[dreg:$0x9] =	wrdreg s30  }
0x10: {  	s0 =	sadd.s32 s6, s0;
	s1 =	smax.u32 s1, $0x1;
	[dreg:$0x7] =	wrdreg s26  }
0x11: {  	s6 =	sor.u32 $0x1C03, s10;
	s24 =	sadd.s32 $0xD200, s2;
	[dreg:$0x8] =	wrdreg s1  }
0x12: {  	s2 =	sadd.s32 $0x3400, s2;
	s0 =	sadd.s32 $0x1C000, s0;
	[dreg:$0x5] =	wrdreg s24  }
0x13: {  	s26 =	simm.s32 $0x6720;
	s1 =	simm.s32 $0x7620;
	[dreg:$0x6] =	wrdreg s2  }
0x14: {  	s24 =	sadd.s32 s8, s0;
	s0 =	simm.s32 $0x8A20;
	s2 =	simm.s32 $0x2  }
.LBB2_1:
0x15: {  	s7 =	rddreg [dreg:$0x1]  }
0x16: {  	[spmem:s11], [sflag:s6] =	dma.local [hbm:s7], $0x500  }
0x17: {  	_ =	swait.ge [sflag:s12], $0x500  }
0x18: {  	[sflag:s12] =	ssyncset.done $0x0  }
0x19: {  	s10 =	rddreg [dreg:$0x5];
	[sflag:s12] =	ssyncadd.s32 $0xFFFFFB00  }
0x1a: {  	[tilespmem:s5], [sflag:$0x3] =	stream.linear.gather [hbm4b:s10+s5], $0x2710, $0x38;
	[tilespmem:$0xEE20] =	vst v63  }
0x1b: {  	_ =	swait.ge [sflag:s12], $0x2710  }
0x1c: {  	[sflag:s12] =	ssyncset.done $0x0  }
0x1d: {  	s8 =	simm.s32 $0x2710;
	s13 =	rddreg [dreg:$0x6];
	[sflag:s12] =	ssyncadd.s32 $0xFFFFD8F0  }
0x1e: {  	[tilespmem:s8], [sflag:$0x3] =	stream.linear.gather [hbm4b:s13+s5], $0x2710, $0x38;
	[tilespmem:$0xEE20] =	vst v63  }
0x1f: {  	_ =	swait.ge [sflag:s12], $0x2710  }
0x20: {  	[sflag:s12] =	ssyncset.done $0x0;
	s14 =	rddreg [dreg:$0x7]  }
0x21: {  	s9 =	rddreg [dreg:$0x9];
	[sflag:s12] =	ssyncadd.s32 $0xFFFFD8F0  }
0x22: {  	[spmem:s9], [sflag:s6] =	dma.local [hbm:s14], $0x500  }
0x23: {  	_ =	swait.ge [sflag:s12], $0x500  }
0x24: {  	[sflag:s12] =	ssyncset.done $0x0  }
0x25: {  	[sflag:s12] =	ssyncadd.s32 $0xFFFFFB00  }
0x26: {  	s7 =	simm.s32 $0x4E20;
	[bflag:$0x0] =	sbarrier.arrive $0xFFFF  }
0x27: {  	[tilespmem:s7], [sflag:$0x1] =	stream.indirect.gather [spmem:s4], $0x10, s5, s15, $0xb8;
	[tilespmem:$0xEE20] =	vst v63  }
0x28: {  	s9 =	simm.s32 $0x5320  }
0x29: {  	[tilespmem:s9], [sflag:$0x1] =	stream.indirect.gather [spmem:s4], $0x10, s15, s15, $0xb8;
	[tilespmem:$0xEE20] =	vst v63  }
0x2a: {  	s10 =	simm.s32 $0xA0;
	s13 =	simm.s32 $0x5820  }
0x2b: {  	[tilespmem:s13], [sflag:$0x1] =	stream.indirect.gather [spmem:s4], $0x10, s10, s15, $0xb8;
	[tilespmem:$0xEE20] =	vst v63  }
0x2c: {  	s16 =	simm.s32 $0xF0  }
0x2d: {  	[tilespmem:s21], [sflag:$0x1] =	stream.indirect.gather [spmem:s4], $0x10, s16, s15, $0xb8;
	[tilespmem:$0xEE20] =	vst v63  }
0x2e: {  	s17 =	simm.s32 $0x140  }
0x2f: {  	[tilespmem:s23], [sflag:$0x1] =	stream.indirect.gather [spmem:s4], $0x10, s17, s15, $0xb8;
	[tilespmem:$0xEE20] =	vst v63  }
0x30: {  	s19 =	simm.s32 $0x190  }
0x31: {  	[tilespmem:s26], [sflag:$0x1] =	stream.indirect.gather [spmem:s4], $0x10, s19, s15, $0xb8;
	[tilespmem:$0xEE20] =	vst v63  }
0x32: {  	s14 =	simm.s32 $0x1E0  }
0x33: {  	[tilespmem:s29], [sflag:$0x1] =	stream.indirect.gather [spmem:s4], $0x10, s14, s15, $0xb8;
	[tilespmem:$0xEE20] =	vst v63  }
0x34: {  	s16 =	simm.s32 $0x230  }
0x35: {  	[tilespmem:s31], [sflag:$0x1] =	stream.indirect.gather [spmem:s4], $0x10, s16, s15, $0xb8;
	[tilespmem:$0xEE20] =	vst v63  }
0x36: {  	s17 =	simm.s32 $0x280  }
0x37: {  	[tilespmem:s1], [sflag:$0x1] =	stream.indirect.gather [spmem:s4], $0x10, s17, s15, $0xb8;
	[tilespmem:$0xEE20] =	vst v63  }
0x38: {  	s19 =	simm.s32 $0x2D0  }
0x39: {  	[tilespmem:s18], [sflag:$0x1] =	stream.indirect.gather [spmem:s4], $0x10, s19, s15, $0xb8;
	[tilespmem:$0xEE20] =	vst v63  }
0x3a: {  	s14 =	simm.s32 $0x320  }
0x3b: {  	[tilespmem:s22], [sflag:$0x1] =	stream.indirect.gather [spmem:s4], $0x10, s14, s15, $0xb8;
	[tilespmem:$0xEE20] =	vst v63  }
0x3c: {  	s16 =	simm.s32 $0x370  }
0x3d: {  	[tilespmem:s28], [sflag:$0x1] =	stream.indirect.gather [spmem:s4], $0x10, s16, s15, $0xb8;
	[tilespmem:$0xEE20] =	vst v63  }
0x3e: {  	s17 =	simm.s32 $0x3C0  }
0x3f: {  	[tilespmem:s0], [sflag:$0x1] =	stream.indirect.gather [spmem:s4], $0x10, s17, s15, $0xb8;
	[tilespmem:$0xEE20] =	vst v63  }
0x40: {  	s19 =	simm.s32 $0x410;
	s14 =	simm.s32 $0x8F20  }
0x41: {  	[tilespmem:s14], [sflag:$0x1] =	stream.indirect.gather [spmem:s4], $0x10, s19, s15, $0xb8;
	[tilespmem:$0xEE20] =	vst v63  }
0x42: {  	s16 =	simm.s32 $0x9420;
	s14 =	simm.s32 $0x460  }
0x43: {  	[tilespmem:s16], [sflag:$0x1] =	stream.indirect.gather [spmem:s4], $0x10, s14, s15, $0xb8;
	[tilespmem:$0xEE20] =	vst v63  }
0x44: {  	s17 =	simm.s32 $0x4B0;
	s19 =	simm.s32 $0x9920  }
0x45: {  	[tilespmem:s19], [sflag:$0x1] =	stream.indirect.gather [spmem:s4], $0x10, s17, s15, $0xb8;
	[tilespmem:$0xEE20] =	vst v63  }
0x46: {  	_ =	swait.ge [sflag:s25], $0x500  }
0x47: {  	[sflag:s25] =	ssyncset.done $0x0  }
0x48: {  	[sflag:s25] =	ssyncadd.s32 $0xFFFFFB00  }
0x49: {  	[spmem:s3] =	stream.indirect.scatter.add.f32 [tilespmem:s7], [sflag:$0x2], $0x10, s8, s15, $0xb8;
	[tilespmem:$0xEE20] =	vst v63  }
0x4a: {  	_ =	swait.ge [sflag:s25], $0x500  }
0x4b: {  	[sflag:s25] =	ssyncset.done $0x0  }
0x4c: {  	s16 =	simm.s32 $0x2760;
	[sflag:s25] =	ssyncadd.s32 $0xFFFFFB00  }
0x4d: {  	[spmem:s3] =	stream.indirect.scatter.add.f32 [tilespmem:s9], [sflag:$0x2], $0x10, s16, s15, $0xb8;
	[tilespmem:$0xEE20] =	vst v63  }
0x4e: {  	_ =	swait.ge [sflag:s25], $0x500  }
0x4f: {  	[sflag:s25] =	ssyncset.done $0x0  }
0x50: {  	s17 =	simm.s32 $0x27B0;
	[sflag:s25] =	ssyncadd.s32 $0xFFFFFB00  }
0x51: {  	[spmem:s3] =	stream.indirect.scatter.add.f32 [tilespmem:s13], [sflag:$0x2], $0x10, s17, s15, $0xb8;
	[tilespmem:$0xEE20] =	vst v63  }
0x52: {  	_ =	swait.ge [sflag:s25], $0x500  }
0x53: {  	[sflag:s25] =	ssyncset.done $0x0  }
0x54: {  	s19 =	simm.s32 $0x2800;
	[sflag:s25] =	ssyncadd.s32 $0xFFFFFB00  }
0x55: {  	[spmem:s3] =	stream.indirect.scatter.add.f32 [tilespmem:s21], [sflag:$0x2], $0x10, s19, s15, $0xb8;
	[tilespmem:$0xEE20] =	vst v63  }
0x56: {  	_ =	swait.ge [sflag:s25], $0x500  }
0x57: {  	[sflag:s25] =	ssyncset.done $0x0  }
0x58: {  	s8 =	simm.s32 $0x2850;
	[sflag:s25] =	ssyncadd.s32 $0xFFFFFB00  }
0x59: {  	[spmem:s3] =	stream.indirect.scatter.add.f32 [tilespmem:s23], [sflag:$0x2], $0x10, s8, s15, $0xb8;
	[tilespmem:$0xEE20] =	vst v63  }
0x5a: {  	_ =	swait.ge [sflag:s25], $0x500  }
0x5b: {  	[sflag:s25] =	ssyncset.done $0x0  }
0x5c: {  	s9 =	simm.s32 $0x28A0;
	[sflag:s25] =	ssyncadd.s32 $0xFFFFFB00  }
0x5d: {  	[spmem:s3] =	stream.indirect.scatter.add.f32 [tilespmem:s26], [sflag:$0x2], $0x10, s9, s15, $0xb8;
	[tilespmem:$0xEE20] =	vst v63  }
0x5e: {  	_ =	swait.ge [sflag:s25], $0x500  }
0x5f: {  	[sflag:s25] =	ssyncset.done $0x0  }
0x60: {  	s10 =	simm.s32 $0x28F0;
	[sflag:s25] =	ssyncadd.s32 $0xFFFFFB00  }
0x61: {  	[spmem:s3] =	stream.indirect.scatter.add.f32 [tilespmem:s29], [sflag:$0x2], $0x10, s10, s15, $0xb8;
	[tilespmem:$0xEE20] =	vst v63  }
0x62: {  	s30 =	simm.s32 $0x11;
	s14 =	simm.s32 $0x8;
	_ =	swait.ge [sflag:s25], $0x500  }
0x63: {  	s7 =	simm.s32 $0x500;
	s16 =	sand.u32 $0xF, s14;
	[sflag:s25] =	ssyncset.done $0x0  }
0x64: {  	s13 =	simm.s32 $0x2940;
	s8 =	smul.u32 $0x1400, s16;
	[sflag:s25] =	ssyncadd.s32 $0xFFFFFB00  }
0x65: {  	[spmem:s3] =	stream.indirect.scatter.add.f32 [tilespmem:s31], [sflag:$0x2], $0x10, s13, s15, $0xb8;
	[tilespmem:$0xEE20] =	vst v63  }
0x66: {  	s17 =	simm.s32 $0x10;
	s19 =	simm.s32 $0x2990;
	_ =	swait.ge [sflag:s25], $0x500  }
0x67: {  	s16 =	simm.s32 $0x9;
	s8 =	sshrl.u32 s8, $0x2;
	[sflag:s25] =	ssyncset.done $0x0  }
0x68: {  	s8 =	sadd.s32 $0x4E20, s8;
	s9 =	sand.u32 $0xF, s17;
	[sflag:s25] =	ssyncadd.s32 $0xFFFFFB00  }
0x69: {  	[spmem:s3] =	stream.indirect.scatter.add.f32 [tilespmem:s8], [sflag:$0x2], $0x10, s19, s15, $0xb8;
	[tilespmem:$0xEE20] =	vst v63  }
0x6a: {  	s10 =	smul.u32 $0x1400, s9;
	s9 =	simm.s32 $0x29E0;
	_ =	swait.ge [sflag:s2], $0x500  }
0x6b: {  	s13 =	simm.s32 $0x12;
	s8 =	simm.s32 $0x550;
	[sflag:s2] =	ssyncset.done $0x0  }
.LBB2_2:
0x6c: {  	s16 =	sand.u32 $0xF, s16  }
0x6d: {  	s10 =	sshrl.u32 s10, $0x2;
	s17 =	smov.u32 s13;
	s14 =	sadd.s32 $0x1, s13  }
0x6e: {  	s19 =	smov.u32 s7;
	s7 =	smov.u32 s8;
	p0 =	sne.s32 s13, $0x7C  }
0x6f: {  	s16 =	smul.u32 $0x1400, s16;
	[sflag:s2] =	ssyncadd.s32 $0xFFFFFB00;
	s10 =	sadd.s32 $0x4E20, s10  }
0x70: {  	[tilespmem:s10], [sflag:$0x1] =	stream.indirect.gather [spmem:s4], $0x10, s19, s15, $0xb8;
	[tilespmem:$0xEE20] =	vst v63  }
0x71: {  	s13 =	sand.u32 $0xF, s30;
	_ =	swait.ge [sflag:s25], $0x500;
	s10 =	sshrl.u32 s16, $0x2  }
.Ltmp0:
0x72: {  	[sflag:s25] =	ssyncset.done $0x0;
	s10 =	sadd.s32 $0x4E20, s10;
	(pc) =	sbr.rel @p0 .LBB2_2-.Ltmp0, $4  }
0x73: {  	s8 =	sadd.s32 $0x50, s8;
	s30 =	smov.u32 s17;
	[sflag:s25] =	ssyncadd.s32 $0xFFFFFB00  }
0x74: {  	[spmem:s3] =	stream.indirect.scatter.add.f32 [tilespmem:s10], [sflag:$0x2], $0x10, s9, s15, $0xb8;
	[tilespmem:$0xEE20] =	vst v63  }
0x75: {  	s10 =	smul.u32 $0x1400, s13;
	s9 =	sadd.s32 $0x50, s9;
	_ =	swait.ge [sflag:s2], $0x500  }
0x76: {  	s16 =	sadd.s32 $0xFFFFFFF8, s30;
	s13 =	smov.u32 s14;
	[sflag:s2] =	ssyncset.done $0x0  }
0x77: {  	s10 =	sshrl.u32 s10, $0x2  }
0x78: {  	[sflag:s2] =	ssyncadd.s32 $0xFFFFFB00;
	s19 =	sand.u32 $0xF, s16;
	s10 =	sadd.s32 $0x4E20, s10  }
0x79: {  	[tilespmem:s10], [sflag:$0x1] =	stream.indirect.gather [spmem:s4], $0x10, s7, s15, $0xb8;
	[tilespmem:$0xEE20] =	vst v63  }
0x7a: {  	s7 =	smul.u32 $0x1400, s19  }
0x7b: {  	_ =	swait.ge [sflag:s25], $0x500  }
0x7c: {  	s7 =	sshrl.u32 s7, $0x2;
	[sflag:s25] =	ssyncset.done $0x0  }
0x7d: {  	s30 =	sand.u32 $0xF, s30;
	s7 =	sadd.s32 $0x4E20, s7;
	[sflag:s25] =	ssyncadd.s32 $0xFFFFFB00  }
0x7e: {  	[spmem:s3] =	stream.indirect.scatter.add.f32 [tilespmem:s7], [sflag:$0x2], $0x10, s9, s15, $0xb8;
	[tilespmem:$0xEE20] =	vst v63  }
0x7f: {  	s7 =	smul.u32 $0x1400, s30  }
0x80: {  	_ =	swait.ge [sflag:s2], $0x500  }
0x81: {  	[sflag:s2] =	ssyncset.done $0x0;
	s7 =	sshrl.u32 s7, $0x2  }
0x82: {  	[sflag:s2] =	ssyncadd.s32 $0xFFFFFB00;
	s7 =	sadd.s32 $0x4E20, s7  }
0x83: {  	[tilespmem:s7], [sflag:$0x1] =	stream.indirect.gather [spmem:s4], $0x10, s8, s15, $0xb8;
	[tilespmem:$0xEE20] =	vst v63  }
0x84: {  	_ =	swait.ge [sflag:s25], $0x500  }
0x85: {  	[sflag:s25] =	ssyncset.done $0x0  }
0x86: {  	s8 =	simm.s32 $0x4BA0;
	[sflag:s25] =	ssyncadd.s32 $0xFFFFFB00  }
0x87: {  	[spmem:s3] =	stream.indirect.scatter.add.f32 [tilespmem:s26], [sflag:$0x2], $0x10, s8, s15, $0xb8;
	[tilespmem:$0xEE20] =	vst v63  }
0x88: {  	_ =	swait.ge [sflag:s2], $0x500  }
0x89: {  	[sflag:s2] =	ssyncset.done $0x0  }
0x8a: {  	[sflag:s2] =	ssyncadd.s32 $0xFFFFFB00  }
0x8b: {  	_ =	swait.ge [sflag:s25], $0x500  }
0x8c: {  	[sflag:s25] =	ssyncset.done $0x0  }
0x8d: {  	s9 =	simm.s32 $0x4BF0;
	[sflag:s25] =	ssyncadd.s32 $0xFFFFFB00  }
0x8e: {  	[spmem:s3] =	stream.indirect.scatter.add.f32 [tilespmem:s29], [sflag:$0x2], $0x10, s9, s15, $0xb8;
	[tilespmem:$0xEE20] =	vst v63  }
0x8f: {  	_ =	swait.ge [sflag:s2], $0x500  }
0x90: {  	[sflag:s2] =	ssyncset.done $0x0  }
0x91: {  	[sflag:s2] =	ssyncadd.s32 $0xFFFFFB00  }
0x92: {  	_ =	swait.ge [sflag:s25], $0x500  }
0x93: {  	[sflag:s25] =	ssyncset.done $0x0  }
0x94: {  	s10 =	simm.s32 $0x4C40;
	[sflag:s25] =	ssyncadd.s32 $0xFFFFFB00  }
0x95: {  	[spmem:s3] =	stream.indirect.scatter.add.f32 [tilespmem:s31], [sflag:$0x2], $0x10, s10, s15, $0xb8;
	[tilespmem:$0xEE20] =	vst v63  }
0x96: {  	_ =	swait.ge [sflag:s2], $0x500  }
0x97: {  	[sflag:s2] =	ssyncset.done $0x0  }
0x98: {  	[sflag:s2] =	ssyncadd.s32 $0xFFFFFB00  }
0x99: {  	_ =	swait.ge [sflag:s25], $0x500  }
0x9a: {  	[sflag:s25] =	ssyncset.done $0x0  }
0x9b: {  	s13 =	simm.s32 $0x4C90;
	[sflag:s25] =	ssyncadd.s32 $0xFFFFFB00  }
0x9c: {  	[spmem:s3] =	stream.indirect.scatter.add.f32 [tilespmem:s1], [sflag:$0x2], $0x10, s13, s15, $0xb8;
	[tilespmem:$0xEE20] =	vst v63  }
0x9d: {  	_ =	swait.ge [sflag:s2], $0x500  }
0x9e: {  	[sflag:s2] =	ssyncset.done $0x0  }
0x9f: {  	[sflag:s2] =	ssyncadd.s32 $0xFFFFFB00  }
0xa0: {  	_ =	swait.ge [sflag:s25], $0x500  }
0xa1: {  	[sflag:s25] =	ssyncset.done $0x0  }
0xa2: {  	s14 =	simm.s32 $0x4CE0;
	[sflag:s25] =	ssyncadd.s32 $0xFFFFFB00  }
0xa3: {  	[spmem:s3] =	stream.indirect.scatter.add.f32 [tilespmem:s18], [sflag:$0x2], $0x10, s14, s15, $0xb8;
	[tilespmem:$0xEE20] =	vst v63  }
0xa4: {  	_ =	swait.ge [sflag:s2], $0x500  }
0xa5: {  	[sflag:s2] =	ssyncset.done $0x0  }
0xa6: {  	[sflag:s2] =	ssyncadd.s32 $0xFFFFFB00  }
0xa7: {  	_ =	swait.ge [sflag:s25], $0x500  }
0xa8: {  	[sflag:s25] =	ssyncset.done $0x0  }
0xa9: {  	s16 =	simm.s32 $0x4D30;
	[sflag:s25] =	ssyncadd.s32 $0xFFFFFB00  }
0xaa: {  	[spmem:s3] =	stream.indirect.scatter.add.f32 [tilespmem:s22], [sflag:$0x2], $0x10, s16, s15, $0xb8;
	[tilespmem:$0xEE20] =	vst v63  }
0xab: {  	_ =	swait.ge [sflag:s2], $0x500  }
0xac: {  	[sflag:s2] =	ssyncset.done $0x0  }
0xad: {  	[sflag:s2] =	ssyncadd.s32 $0xFFFFFB00  }
0xae: {  	_ =	swait.ge [sflag:s25], $0x500  }
0xaf: {  	[sflag:s25] =	ssyncset.done $0x0  }
0xb0: {  	s17 =	simm.s32 $0x4D80;
	[sflag:s25] =	ssyncadd.s32 $0xFFFFFB00  }
0xb1: {  	[spmem:s3] =	stream.indirect.scatter.add.f32 [tilespmem:s28], [sflag:$0x2], $0x10, s17, s15, $0xb8;
	[tilespmem:$0xEE20] =	vst v63  }
0xb2: {  	_ =	swait.ge [sflag:s2], $0x500  }
0xb3: {  	[sflag:s2] =	ssyncset.done $0x0  }
0xb4: {  	[sflag:s2] =	ssyncadd.s32 $0xFFFFFB00  }
0xb5: {  	_ =	swait.ge [sflag:s25], $0x500  }
0xb6: {  	[sflag:s25] =	ssyncset.done $0x0  }
0xb7: {  	s19 =	simm.s32 $0x4DD0;
	[sflag:s25] =	ssyncadd.s32 $0xFFFFFB00  }
0xb8: {  	[spmem:s3] =	stream.indirect.scatter.add.f32 [tilespmem:s0], [sflag:$0x2], $0x10, s19, s15, $0xb8;
	[tilespmem:$0xEE20] =	vst v63  }
0xb9: {  	_ =	swait.ge [sflag:s2], $0x500  }
0xba: {  	[sflag:s2] =	ssyncset.done $0x0  }
0xbb: {  	[sflag:s2] =	ssyncadd.s32 $0xFFFFFB00  }
0xbc: {  	_ =	swait.ge [sflag:s2], $0x500  }
0xbd: {  	[sflag:s2] =	ssyncset.done $0x0  }
0xbe: {  	[sflag:s2] =	ssyncadd.s32 $0xFFFFFB00  }
0xbf: {  	_ =	swait.ge [sflag:s2], $0x500  }
0xc0: {  	[sflag:s2] =	ssyncset.done $0x0  }
0xc1: {  	[sflag:s2] =	ssyncadd.s32 $0xFFFFFB00  }
0xc2: {  	_ =	swait.ge [sflag:s2], $0x500  }
0xc3: {  	[sflag:s2] =	ssyncset.done $0x0  }
0xc4: {  	[sflag:s2] =	ssyncadd.s32 $0xFFFFFB00  }
0xc5: {  	_ =	swait.ge [sflag:s2], $0x500  }
0xc6: {  	[sflag:s2] =	ssyncset.done $0x0  }
0xc7: {  	[sflag:s2] =	ssyncadd.s32 $0xFFFFFB00  }
0xc8: {  	_ =	swait.ge [sflag:s2], $0x500  }
0xc9: {  	[sflag:s2] =	ssyncset.done $0x0  }
0xca: {  	[sflag:s2] =	ssyncadd.s32 $0xFFFFFB00  }
0xcb: {  	_ =	swait.ge [sflag:s2], $0x500  }
0xcc: {  	[sflag:s2] =	ssyncset.done $0x0  }
0xcd: {  	[sflag:s2] =	ssyncadd.s32 $0xFFFFFB00  }
0xce: {  	_ =	swait.ge [sflag:s2], $0x500  }
0xcf: {  	[sflag:s2] =	ssyncset.done $0x0  }
0xd0: {  	[sflag:s2] =	ssyncadd.s32 $0xFFFFFB00  }
0xd1: {  	_ =	swait.ge [sflag:s2], $0x500  }
0xd2: {  	[sflag:s2] =	ssyncset.done $0x0  }
0xd3: {  	[sflag:s2] =	ssyncadd.s32 $0xFFFFFB00  }
0xd4: {  	[bflag:$0x0] =	sbarrier.arrive $0xFFFF  }
0xd5: {  	[hbm:s24], [sflag:s6] =	dma.local [spmem:s11], $0x500  }
0xd6: {  	_ =	swait.ge [sflag:s12], $0x500  }
0xd7: {  	s20 =	sadd.s32 $0x1, s20;
	s30 =	rddreg [dreg:$0x8]  }
0xd8: {  	p0 =	sne.s32 s20, s30  }
.Ltmp1:
0xd9: {  	_ = 	snop;
	(pc) =	sbr.rel @p0 .LBB2_1-.Ltmp1, $3  }
0xda: {  	_ =	sdelay $0x1  }
0xdb: {  	[sflag:s12] =	ssyncset.done $0x0  }
0xdc: {  	[sflag:s12] =	ssyncadd.s32 $0xFFFFFB00  }
0xdd: {  	_ =	sfence.sel $0x180000  }
0xde: {  	[bflag:$0x0] =	sbarrier.arrive $0xFFFF  }
0xdf: {  	_ =	strace $0x9000004A  }
0xe0: {  	s0 =	stileid.u32;
	[bflag:$0x2] =	sbarrier.arrive $0xFFFF  }
0xe1: {  	p0 =	sne.s32 s0, $0x0;
	s0 =	rddreg [dreg:$0x4]  }
0xe2: {  	s0 =	sadd.s32 @!p0 $0x100000, s0  }
0xe3: {  	[sflag:s0] =	ssyncadd.tile.s32 @!p0 $0x1;
	_ =	shalt  }
.Lfunc_end2:
_tile_overlayer_lowered:
.L_overlay_start_2:
0xe4: {  	(tag) =	ssettag $0x2  }
0xe5: {  	s0 =	rddreg [dreg:$0x0];
	s2 =	stileid.u32  }
0xe6: {  	s1 =	rddreg [dreg:$0x1];
	p0 =	sne.s32 s2, $0x0  }
0xe7: {  	s3 =	rddreg [dreg:$0x2];
	[bflag:$0x3] =	sbarrier.arrive $0xFFFF;
	s2 =	simm.s32 @!p0 $0x1C03  }
0xe8: {  	[timem:s3], [sflag:s2] =	dma.local @!p0 [hbm:s0], s1  }
0xe9: {  	s0 =	simm.s32 @!p0 $0x3  }
0xea: {  	_ =	swait.ge @!p0 [sflag:s0], s1  }
0xeb: {  	s1 =	ssub.s32 @!p0 $0x0, s1;
	[sflag:s0] =	ssyncset.done @!p0 $0x0  }
0xec: {  	[sflag:s0] =	ssyncadd.s32 @!p0 s1  }
0xed: {  	[bflag:$0x3] =	sbarrier.arrive $0xFFFF  }
0xee: {  	_ =	shalt  }

// kernel: kernel.16.cloned.1.call-start
scs
__scs_entry_jumppad:
0x0: {  	(pc) =	sbr.rel $0x88, $3  }
0x1: {  	(tag) =	ssettag $0x0;
	lr =	simm.s32 $0x1  }
0x2: {  	[smem:$0x3F9B] =	sst lr;
	_ =	strace $0xD0000000  }
0x3: {  	_ = 	snop  }
0x4: {  	_ = 	snop  }
0x5: {  	_ = 	snop  }
0x6: {  	_ = 	snop  }
0x7: {  	_ = 	snop  }
__scs_overlays_trampoline_lowered:
0x8: {  	[smem:$0x3FAA] =	sst s0  }
0x9: {  	[smem:$0x3FAB] =	sst s1  }
0xa: {  	[smem:$0x3FAC] =	sst s2  }
0xb: {  	[smem:$0x3FAD] =	sst s3  }
0xc: {  	[smem:$0x3FAE] =	sst s4  }
0xd: {  	[smem:$0x3FAF] =	sst s5  }
0xe: {  	[smem:$0x3FB0] =	sst s6  }
0xf: {  	[smem:$0x3FB1] =	sst s7  }
0x10: {  	[smem:$0x3FB2] =	sst s8  }
0x11: {  	[smem:$0x3FB3] =	sst s9;
	s0 =	simm.s32 @!p0 $0x0  }
0x12: {  	s1 =	sld [smem:$0x3F99];
	s0 =	simm.s32 @p0 $0x1  }
0x13: {  	[smem:$0x3FB4] =	sst s0;
	s0 =	simm.s32 @!p1 $0x0  }
0x14: {  	s2 =	sld [smem:$0x3F98];
	s0 =	simm.s32 @p1 $0x1  }
0x15: {  	[smem:$0x3FB5] =	sst s0;
	s0 =	simm.s32 @!p2 $0x0  }
0x16: {  	s3 =	sld [smem:$0x3FDB];
	s0 =	simm.s32 @p2 $0x1  }
0x17: {  	s4 =	simm.s32 $0x1BF5;
	[smem:$0x3FB7] =	sst s0  }
0x18: {  	s0 =	sld [smem:$0x3F9A];
	_ =	swait.ge [sflag:s4], $0x0  }
0x19: {  	s7 =	sld [smem:$0x3F9B]  }
0x1a: {  	s8 =	sadd.s32 $0xFFFFE003, lr  }
0x1b: {  	s9 =	sadd.s32 $0xFFFFFEF7, lr;
	s5 =	simm.s32 $0xFFFFFFFF;
	p2 =	slt.u32 s8, $0xFFFFF086  }
0x1c: {  	p1 =	slt.u32 s9, $0xF7A;
	s5 =	simm.s32 @!p2 $0x0  }
0x1d: {  	s5 =	simm.s32 @p1 $0x1;
	p0 =	seq.s32 s7, s2  }
0x1e: {  	s7 =	smul.u32 @!p0 $0xF7A, s2;
	p2 =	seq.s32 @!p0 s5, $0x0  }
0x1f: {  	s9 =	smul.u32 $0xF7A, s1;
	s8 =	simm.s32 @!p0 $0x1BF5;
	p2 =	por !p2, p0  }
0x20: {  	[sflag:s8] =	ssyncset.s32 @!p0 $0xFFFFF086;
	s6 =	sadd.s32 @!p0 s3, s7;
	s7 =	simm.s32 @!p0 $0x108  }
0x21: {  	s3 =	sadd.s32 s3, s9;
	s6 =	sadd.s32 @!p0 $0x88, s6;
	s7 =	simm.s32 @p2 $0x1082  }
0x22: {  	[simem:s7], [sflag:s8] =	dma.local @!p0 [hbm:s6], $0xF7A  }
0x23: {  	s9 =	sor.u32 $0xD0000000, s2;
	s6 =	simm.s32 $0x108;
	_ =	swait.ge @!p0 [sflag:s8], $0x0  }
0x24: {  	s3 =	sadd.s32 $0x88, s3;
	s6 =	simm.s32 @!p1 $0x1082;
	[sflag:s4] =	ssyncset.s32 $0xFFFFF086  }
0x25: {  	[simem:s6], [sflag:s4] =	dma.local [hbm:s3], $0xF7A  }
0x26: {  	[smem:$0x3F9B] =	sst s1;
	(tag) =	ssettag s2;
	_ =	strace s9  }
0x27: {  	s1 =	sld [smem:$0x3FAB]  }
0x28: {  	s2 =	sld [smem:$0x3FAC]  }
0x29: {  	s4 =	sld [smem:$0x3FAE]  }
0x2a: {  	p0 =	seq.s32 s5, $0x0;
	s5 =	sld [smem:$0x3FAF]  }
0x2b: {  	s6 =	sld [smem:$0x3FB0]  }
0x2c: {  	s7 =	sld [smem:$0x3FB1]  }
0x2d: {  	s3 =	simm.s32 $0x108;
	s8 =	sld [smem:$0x3FB2]  }
0x2e: {  	s3 =	simm.s32 @!p0 $0x1082;
	s9 =	sld [smem:$0x3FB3]  }
0x2f: {  	lr =	sadd.s32 s0, s3;
	s0 =	sld [smem:$0x3FAA]  }
0x30: {  	s3 =	sld [smem:$0x3FAD]  }
0x31: {  	[smem:$0x3FB6] =	sst s10  }
0x32: {  	s10 =	sld [smem:$0x3FB4];
	_ =	sdelay $0x3  }
0x33: {  	p0 =	seq.s32 s10, $0x1;
	s10 =	sld [smem:$0x3FB6];
	_ =	sdelay $0x3  }
0x34: {  	[smem:$0x3FB6] =	sst s10  }
0x35: {  	s10 =	sld [smem:$0x3FB5];
	_ =	sdelay $0x3  }
0x36: {  	p1 =	seq.s32 s10, $0x1;
	s10 =	sld [smem:$0x3FB6];
	_ =	sdelay $0x3  }
0x37: {  	[smem:$0x3FB6] =	sst s10  }
0x38: {  	s10 =	sld [smem:$0x3FB7]  }
0x39: {  	_ = 	snop;
	(pc) =	sbr.ind lr, $3  }
0x3a: {  	_ = 	snop  }
0x3b: {  	_ = 	snop  }
0x3c: {  	p2 =	seq.s32 s10, $0x1;
	s10 =	sld [smem:$0x3FB6]  }
0x3d: {  	_ =	shalt  }
0x3e: {  	_ =	shalt  }
0x3f: {  	_ =	shalt  }
0x40: {  	_ =	shalt  }
0x41: {  	_ =	shalt  }
0x42: {  	_ =	shalt  }
0x43: {  	_ =	shalt  }
0x44: {  	_ =	shalt  }
0x45: {  	_ =	shalt  }
0x46: {  	_ =	shalt  }
0x47: {  	_ =	shalt  }
0x48: {  	_ =	shalt  }
0x49: {  	_ =	shalt  }
0x4a: {  	_ =	shalt  }
0x4b: {  	_ =	shalt  }
0x4c: {  	_ =	shalt  }
0x4d: {  	_ =	shalt  }
0x4e: {  	_ =	shalt  }
0x4f: {  	_ =	shalt  }
0x50: {  	_ =	shalt  }
0x51: {  	_ =	shalt  }
0x52: {  	_ =	shalt  }
0x53: {  	_ =	shalt  }
0x54: {  	_ =	shalt  }
0x55: {  	_ =	shalt  }
0x56: {  	_ =	shalt  }
0x57: {  	_ =	shalt  }
0x58: {  	_ =	shalt  }
0x59: {  	_ =	shalt  }
0x5a: {  	_ =	shalt  }
0x5b: {  	_ =	shalt  }
0x5c: {  	_ =	shalt  }
0x5d: {  	_ =	shalt  }
0x5e: {  	_ =	shalt  }
0x5f: {  	_ =	shalt  }
0x60: {  	_ =	shalt  }
0x61: {  	_ =	shalt  }
0x62: {  	_ =	shalt  }
0x63: {  	_ =	shalt  }
0x64: {  	_ =	shalt  }
0x65: {  	_ =	shalt  }
0x66: {  	_ =	shalt  }
0x67: {  	_ =	shalt  }
0x68: {  	_ =	shalt  }
0x69: {  	_ =	shalt  }
0x6a: {  	_ =	shalt  }
0x6b: {  	_ =	shalt  }
0x6c: {  	_ =	shalt  }
0x6d: {  	_ =	shalt  }
0x6e: {  	_ =	shalt  }
0x6f: {  	_ =	shalt  }
0x70: {  	_ =	shalt  }
0x71: {  	_ =	shalt  }
0x72: {  	_ =	shalt  }
0x73: {  	_ =	shalt  }
0x74: {  	_ =	shalt  }
0x75: {  	_ =	shalt  }
0x76: {  	_ =	shalt  }
0x77: {  	_ =	shalt  }
0x78: {  	_ =	shalt  }
0x79: {  	_ =	shalt  }
0x7a: {  	_ =	shalt  }
0x7b: {  	_ =	shalt  }
0x7c: {  	_ =	shalt  }
0x7d: {  	_ =	shalt  }
0x7e: {  	_ =	shalt  }
0x7f: {  	_ =	shalt  }
0x80: {  	_ =	shalt  }
0x81: {  	_ =	shalt  }
0x82: {  	_ =	shalt  }
0x83: {  	_ =	shalt  }
0x84: {  	_ =	shalt  }
0x85: {  	_ =	shalt  }
0x86: {  	_ =	shalt  }
0x87: {  	_ =	shalt  }
.Lfunc_end0:
.L_simem_size_0:
called_computation.2_lowered:
.L_overlay_start_0:
0x88: {  	s2 =	sld [smem:$0x3FD9]  }
0x89: {  	s3 =	sld [smem:$0x3FFE];
	_ =	sdelay $0x1  }
0x8a: {  	s1 =	srdreg.scid  }
0x8b: {  	s0 =	sand.u32 $0x1, s1  }
0x8c: {  	s17 =	sshll.u32 s0, $0xA;
	s2 =	sadd.s32 s3, s2  }
0x8d: {  	s2 =	sadd.s32 s2, s17  }
0x8e: {  	[smem:$0x3FC2] =	sst s2  }
0x8f: {  	_ = 	snop  }
0x90: {  	s2 =	sld [smem:$0x3FD0];
	(tm) =	ssettm $0x1  }
0x91: {  	s18 =	sld [smem:$0x3FFB];
	_ =	sdelay $0x3  }
0x92: {  	_ =	strace s18  }
0x93: {  	s3 =	sld [smem:$0x3FFC];
	_ =	sdelay $0x3  }
0x94: {  	_ =	strace s3  }
0x95: {  	s3 =	sld [smem:$0x3FFD];
	_ =	sdelay $0x3  }
0x96: {  	_ =	strace s3  }
0x97: {  	_ =	strace $0x8FFFFFFF  }
0x98: {  	s19 =	sld [smem:$0x3FDB];
	_ =	sdelay $0x1  }
0x99: {  	s4 =	simm.s32 $_scs_section_size  }
0x9a: {  	s5 =	simm.s32 $_size__tile_overlayer_lowered;
	s6 =	simm.s32 $_tile_overlayer_lowered  }
0x9b: {  	s22 =	simm.s32 $0x1BFF;
	s21 =	sshll.u32 s6, $0x1;
	s3 =	sadd.s32 s4, s19  }
0x9c: {  	s7 =	simm.s32 $0x0;
	s20 =	sshll.u32 s5, $0x1;
	s5 =	sadd.s32 s21, s3  }
0x9d: {  	[timem:s7], [sflag:s22] =	dma.local [hbm:s5], s20  }
0x9e: {  	_ =	swait.ge [sflag:s22], s20  }
0x9f: {  	s4 =	ssub.s32 $0x0, s20;
	[sflag:s22] =	ssyncset.done $0x0  }
0xa0: {  	[sflag:s22] =	ssyncadd.s32 s4;
	_ =	sdelay $0x1  }
0xa1: {  	s23 =	simm.s32 $0x1B8B  }
0xa2: {  	_ =	swait.ge [sflag:s23], $0x1  }
0xa3: {  	[sflag:s23] =	ssyncset.done $0x0  }
0xa4: {  	s25 =	simm.s32 $0x1B8E;
	s24 =	sld [smem:$0x3FFE];
	[sflag:s23] =	ssyncadd.s32 $0xFFFFFFFF  }
0xa5: {  	s26 =	simm.s32 $execute0_lowered;
	[smem:$0x3FD2] =	sst s25  }
0xa6: {  	s5 =	sshll.u32 s26, $0x1;
	_ =	strace $0x8000004C;
	[dreg:$0x1] =	wrdreg $0xFFFFFFFF  }
0xa7: {  	s28 =	simm.s32 $_size_execute0_lowered;
	s3 =	sadd.s32 s3, s5;
	[dreg:$0x0] =	wrdreg $0x0  }
0xa8: {  	s5 =	sshll.u32 s28, $0x1;
	[dreg:$0x2] =	wrdreg s3  }
0xa9: {  	[dreg:$0x3] =	wrdreg s5  }
0xaa: {  	[dreg:$0x4] =	wrdreg $0xC0  }
0xab: {  	_ =	task [dreg:s7], $0x5FFFF  }
0xac: {  	[dreg:$0x1] =	wrdreg $0xFFFFFFFF  }
0xad: {  	[dreg:$0x0] =	wrdreg $0x60  }
0xae: {  	[dreg:$0x2] =	wrdreg s24  }
0xaf: {  	[dreg:$0x3] =	wrdreg s2  }
0xb0: {  	[dreg:$0x4] =	wrdreg $0x9E200  }
0xb1: {  	[dreg:$0x5] =	wrdreg $0xC6200  }
0xb2: {  	[dreg:$0x6] =	wrdreg $0x9  }
0xb3: {  	_ =	task.clear_ibuf [dreg:s7], $0x7FFFF;
	_ =	strace $0x9000004C  }
0xb4: {  	s29 =	simm.s32 $0x9;
	_ =	strace $0x8000004E  }
0xb5: {  	_ =	swait.ge [sflag:s29], $0x1  }
0xb6: {  	[sflag:s29] =	ssyncadd.s32 $0xFFFFFFFF  }
0xb7: {  	_ =	strace $0x9000004E  }
0xb8: {  	_ =	sfence  }
0xb9: {  	s30 =	sld [smem:$0x0];
	_ =	sdelay $0x2  }
0xba: {  	s31 =	sshll.u32 s1, $0xD;
	s1 =	sshrl.u32 s1, $0x2  }
0xbb: {  	s3 =	sand.u32 $0x4000, s31;
	s1 =	sadd.s32 s1, s30  }
0xbc: {  	s0 =	sor.u32 s3, s0;
	s1 =	sshll.u32 s1, $0x11  }
0xbd: {  	s0 =	sor.u32 s1, s0  }
0xbe: {  	s0 =	sadd.s32 $0x8F2B, s0  }
0xbf: {  	[sflag:s0] =	ssyncadd.remote.s32 $0x1  }
0xc0: {  	_ =	sfence.sel $0xFFFF  }
0xc1: {  	[dreg:$0x0] =	wrdreg $0xFFFFFFFF;
	(pc) =	sbr.abs _section_cstart, $3  }
0xc2: {  	[dreg:$0x1] =	wrdreg $0xFFFFFFFF  }
0xc3: {  	_ =	task.clear_ibuf [dreg:s7], $0x2FFFF;
	_ =	strace $0x9FFFFFFF  }
0xc4: {  	(tm) =	ssettm $0x7FFFFFFF  }
0xc5: {  	_ =	shalt  }
tec
execute0_lowered:
.L_overlay_start_1:
0x0: {  	(tag) =	ssettag $0x1  }
0x1: {  	s0 =	rddreg [dreg:$0x0]  }
0x2: {  	s3 =	rddreg [dreg:$0x2]  }
0x3: {  	s4 =	rddreg [dreg:$0x3]  }
0x4: {  	s10 =	stileid.u32;
	s1 =	srdreg.scid  }
0x5: {  	s5 =	simm.s32 $0x0;
	s12 =	simm.s32 $0x3;
	s15 =	simm.s32 $0x50  }
0x6: {  	s21 =	simm.s32 $0x5D20;
	s29 =	simm.s32 $0x6C20;
	s31 =	simm.s32 $0x7120  }
0x7: {  	s18 =	simm.s32 $0x7B20;
	s22 =	simm.s32 $0x8020;
	s28 =	simm.s32 $0x8520  }
0x8: {  	s20 =	simm.s32 $0x0;
	s1 =	sand.u32 $0x1, s1;
	s2 =	sshll.u32 s10, $0x1  }
0x9: {  	s7 =	smul.u32 $0x2800, s10;
	[smem:$0x7FF] =	sst s5;
	s10 =	sshll.u32 s10, $0x6  }
0xa: {  	s2 =	sor.u32 s1, s2;
	_ =	strace $0x8000004D;
	s6 =	smul.u32 $0x5000, s1  }
0xb: {  	s1 =	ssub.s32 $0x2, s1;
	s2 =	smul.u32 $0x4E2, s2;
	s8 =	sshrl.u32 s7, $0x3  }
0xc: {  	s23 =	sshrl.u32 s1, $0x1;
	s11 =	sadd.s32 s7, s3;
	s25 =	sadd.s32 s7, s4  }
0xd: {  	s9 =	sadd.s32 s8, s0;
	s1 =	ssub.s32 s1, s23;
	s11 =	sshrl.u32 s11, $0x3  }
0xe: {  	s30 =	sshrl.u32 s25, $0x3;
	s23 =	simm.s32 $0x6220;
	s25 =	simm.s32 $0x1  }
0xf: {  	s2 =	sadd.s32 s2, s0;
	s26 =	sadd.s32 $0x17000, s9;
	[dreg:$0x9] =	wrdreg s30  }
0x10: {  	s0 =	sadd.s32 s6, s0;
	s1 =	smax.u32 s1, $0x1;
	[dreg:$0x7] =	wrdreg s26  }
0x11: {  	s6 =	sor.u32 $0x1C03, s10;
	s24 =	sadd.s32 $0xD200, s2;
	[dreg:$0x8] =	wrdreg s1  }
0x12: {  	s2 =	sadd.s32 $0x3400, s2;
	s0 =	sadd.s32 $0x1C000, s0;
	[dreg:$0x5] =	wrdreg s24  }
0x13: {  	s26 =	simm.s32 $0x6720;
	s1 =	simm.s32 $0x7620;
	[dreg:$0x6] =	wrdreg s2  }
0x14: {  	s24 =	sadd.s32 s8, s0;
	s0 =	simm.s32 $0x8A20;
	s2 =	simm.s32 $0x2  }
.LBB2_1:
0x15: {  	s7 =	rddreg [dreg:$0x1]  }
0x16: {  	[spmem:s11], [sflag:s6] =	dma.local [hbm:s7], $0x500  }
0x17: {  	_ =	swait.ge [sflag:s12], $0x500  }
0x18: {  	[sflag:s12] =	ssyncset.done $0x0  }
0x19: {  	s10 =	rddreg [dreg:$0x5];
	[sflag:s12] =	ssyncadd.s32 $0xFFFFFB00  }
0x1a: {  	[tilespmem:s5], [sflag:$0x3] =	stream.linear.gather [hbm4b:s10+s5], $0x2710, $0x38;
	[tilespmem:$0xEE20] =	vst v63  }
0x1b: {  	_ =	swait.ge [sflag:s12], $0x2710  }
0x1c: {  	[sflag:s12] =	ssyncset.done $0x0  }
0x1d: {  	s8 =	simm.s32 $0x2710;
	s13 =	rddreg [dreg:$0x6];
	[sflag:s12] =	ssyncadd.s32 $0xFFFFD8F0  }
0x1e: {  	[tilespmem:s8], [sflag:$0x3] =	stream.linear.gather [hbm4b:s13+s5], $0x2710, $0x38;
	[tilespmem:$0xEE20] =	vst v63  }
0x1f: {  	_ =	swait.ge [sflag:s12], $0x2710  }
0x20: {  	[sflag:s12] =	ssyncset.done $0x0;
	s14 =	rddreg [dreg:$0x7]  }
0x21: {  	s9 =	rddreg [dreg:$0x9];
	[sflag:s12] =	ssyncadd.s32 $0xFFFFD8F0  }
0x22: {  	[spmem:s9], [sflag:s6] =	dma.local [hbm:s14], $0x500  }
0x23: {  	_ =	swait.ge [sflag:s12], $0x500  }
0x24: {  	[sflag:s12] =	ssyncset.done $0x0  }
0x25: {  	[sflag:s12] =	ssyncadd.s32 $0xFFFFFB00  }
0x26: {  	s7 =	simm.s32 $0x4E20;
	[bflag:$0x0] =	sbarrier.arrive $0xFFFF  }
0x27: {  	[tilespmem:s7], [sflag:$0x1] =	stream.indirect.gather [spmem:s4], $0x10, s5, s15, $0xb8;
	[tilespmem:$0xEE20] =	vst v63  }
0x28: {  	s9 =	simm.s32 $0x5320  }
0x29: {  	[tilespmem:s9], [sflag:$0x1] =	stream.indirect.gather [spmem:s4], $0x10, s15, s15, $0xb8;
	[tilespmem:$0xEE20] =	vst v63  }
0x2a: {  	s10 =	simm.s32 $0xA0;
	s13 =	simm.s32 $0x5820  }
0x2b: {  	[tilespmem:s13], [sflag:$0x1] =	stream.indirect.gather [spmem:s4], $0x10, s10, s15, $0xb8;
	[tilespmem:$0xEE20] =	vst v63  }
0x2c: {  	s16 =	simm.s32 $0xF0  }
0x2d: {  	[tilespmem:s21], [sflag:$0x1] =	stream.indirect.gather [spmem:s4], $0x10, s16, s15, $0xb8;
	[tilespmem:$0xEE20] =	vst v63  }
0x2e: {  	s17 =	simm.s32 $0x140  }
0x2f: {  	[tilespmem:s23], [sflag:$0x1] =	stream.indirect.gather [spmem:s4], $0x10, s17, s15, $0xb8;
	[tilespmem:$0xEE20] =	vst v63  }
0x30: {  	s19 =	simm.s32 $0x190  }
0x31: {  	[tilespmem:s26], [sflag:$0x1] =	stream.indirect.gather [spmem:s4], $0x10, s19, s15, $0xb8;
	[tilespmem:$0xEE20] =	vst v63  }
0x32: {  	s14 =	simm.s32 $0x1E0  }
0x33: {  	[tilespmem:s29], [sflag:$0x1] =	stream.indirect.gather [spmem:s4], $0x10, s14, s15, $0xb8;
	[tilespmem:$0xEE20] =	vst v63  }
0x34: {  	s16 =	simm.s32 $0x230  }
0x35: {  	[tilespmem:s31], [sflag:$0x1] =	stream.indirect.gather [spmem:s4], $0x10, s16, s15, $0xb8;
	[tilespmem:$0xEE20] =	vst v63  }
0x36: {  	s17 =	simm.s32 $0x280  }
0x37: {  	[tilespmem:s1], [sflag:$0x1] =	stream.indirect.gather [spmem:s4], $0x10, s17, s15, $0xb8;
	[tilespmem:$0xEE20] =	vst v63  }
0x38: {  	s19 =	simm.s32 $0x2D0  }
0x39: {  	[tilespmem:s18], [sflag:$0x1] =	stream.indirect.gather [spmem:s4], $0x10, s19, s15, $0xb8;
	[tilespmem:$0xEE20] =	vst v63  }
0x3a: {  	s14 =	simm.s32 $0x320  }
0x3b: {  	[tilespmem:s22], [sflag:$0x1] =	stream.indirect.gather [spmem:s4], $0x10, s14, s15, $0xb8;
	[tilespmem:$0xEE20] =	vst v63  }
0x3c: {  	s16 =	simm.s32 $0x370  }
0x3d: {  	[tilespmem:s28], [sflag:$0x1] =	stream.indirect.gather [spmem:s4], $0x10, s16, s15, $0xb8;
	[tilespmem:$0xEE20] =	vst v63  }
0x3e: {  	s17 =	simm.s32 $0x3C0  }
0x3f: {  	[tilespmem:s0], [sflag:$0x1] =	stream.indirect.gather [spmem:s4], $0x10, s17, s15, $0xb8;
	[tilespmem:$0xEE20] =	vst v63  }
0x40: {  	s19 =	simm.s32 $0x410;
	s14 =	simm.s32 $0x8F20  }
0x41: {  	[tilespmem:s14], [sflag:$0x1] =	stream.indirect.gather [spmem:s4], $0x10, s19, s15, $0xb8;
	[tilespmem:$0xEE20] =	vst v63  }
0x42: {  	s16 =	simm.s32 $0x9420;
	s14 =	simm.s32 $0x460  }
0x43: {  	[tilespmem:s16], [sflag:$0x1] =	stream.indirect.gather [spmem:s4], $0x10, s14, s15, $0xb8;
	[tilespmem:$0xEE20] =	vst v63  }
0x44: {  	s17 =	simm.s32 $0x4B0;
	s19 =	simm.s32 $0x9920  }
0x45: {  	[tilespmem:s19], [sflag:$0x1] =	stream.indirect.gather [spmem:s4], $0x10, s17, s15, $0xb8;
	[tilespmem:$0xEE20] =	vst v63  }
0x46: {  	_ =	swait.ge [sflag:s25], $0x500  }
0x47: {  	[sflag:s25] =	ssyncset.done $0x0  }
0x48: {  	[sflag:s25] =	ssyncadd.s32 $0xFFFFFB00  }
0x49: {  	[spmem:s3] =	stream.indirect.scatter.add.f32 [tilespmem:s7], [sflag:$0x2], $0x10, s8, s15, $0xb8;
	[tilespmem:$0xEE20] =	vst v63  }
0x4a: {  	_ =	swait.ge [sflag:s25], $0x500  }
0x4b: {  	[sflag:s25] =	ssyncset.done $0x0  }
0x4c: {  	s16 =	simm.s32 $0x2760;
	[sflag:s25] =	ssyncadd.s32 $0xFFFFFB00  }
0x4d: {  	[spmem:s3] =	stream.indirect.scatter.add.f32 [tilespmem:s9], [sflag:$0x2], $0x10, s16, s15, $0xb8;
	[tilespmem:$0xEE20] =	vst v63  }
0x4e: {  	_ =	swait.ge [sflag:s25], $0x500  }
0x4f: {  	[sflag:s25] =	ssyncset.done $0x0  }
0x50: {  	s17 =	simm.s32 $0x27B0;
	[sflag:s25] =	ssyncadd.s32 $0xFFFFFB00  }
0x51: {  	[spmem:s3] =	stream.indirect.scatter.add.f32 [tilespmem:s13], [sflag:$0x2], $0x10, s17, s15, $0xb8;
	[tilespmem:$0xEE20] =	vst v63  }
0x52: {  	_ =	swait.ge [sflag:s25], $0x500  }
0x53: {  	[sflag:s25] =	ssyncset.done $0x0  }
0x54: {  	s19 =	simm.s32 $0x2800;
	[sflag:s25] =	ssyncadd.s32 $0xFFFFFB00  }
0x55: {  	[spmem:s3] =	stream.indirect.scatter.add.f32 [tilespmem:s21], [sflag:$0x2], $0x10, s19, s15, $0xb8;
	[tilespmem:$0xEE20] =	vst v63  }
0x56: {  	_ =	swait.ge [sflag:s25], $0x500  }
0x57: {  	[sflag:s25] =	ssyncset.done $0x0  }
0x58: {  	s8 =	simm.s32 $0x2850;
	[sflag:s25] =	ssyncadd.s32 $0xFFFFFB00  }
0x59: {  	[spmem:s3] =	stream.indirect.scatter.add.f32 [tilespmem:s23], [sflag:$0x2], $0x10, s8, s15, $0xb8;
	[tilespmem:$0xEE20] =	vst v63  }
0x5a: {  	_ =	swait.ge [sflag:s25], $0x500  }
0x5b: {  	[sflag:s25] =	ssyncset.done $0x0  }
0x5c: {  	s9 =	simm.s32 $0x28A0;
	[sflag:s25] =	ssyncadd.s32 $0xFFFFFB00  }
0x5d: {  	[spmem:s3] =	stream.indirect.scatter.add.f32 [tilespmem:s26], [sflag:$0x2], $0x10, s9, s15, $0xb8;
	[tilespmem:$0xEE20] =	vst v63  }
0x5e: {  	_ =	swait.ge [sflag:s25], $0x500  }
0x5f: {  	[sflag:s25] =	ssyncset.done $0x0  }
0x60: {  	s10 =	simm.s32 $0x28F0;
	[sflag:s25] =	ssyncadd.s32 $0xFFFFFB00  }
0x61: {  	[spmem:s3] =	stream.indirect.scatter.add.f32 [tilespmem:s29], [sflag:$0x2], $0x10, s10, s15, $0xb8;
	[tilespmem:$0xEE20] =	vst v63  }
0x62: {  	s30 =	simm.s32 $0x11;
	s14 =	simm.s32 $0x8;
	_ =	swait.ge [sflag:s25], $0x500  }
0x63: {  	s7 =	simm.s32 $0x500;
	s16 =	sand.u32 $0xF, s14;
	[sflag:s25] =	ssyncset.done $0x0  }
0x64: {  	s13 =	simm.s32 $0x2940;
	s8 =	smul.u32 $0x1400, s16;
	[sflag:s25] =	ssyncadd.s32 $0xFFFFFB00  }
0x65: {  	[spmem:s3] =	stream.indirect.scatter.add.f32 [tilespmem:s31], [sflag:$0x2], $0x10, s13, s15, $0xb8;
	[tilespmem:$0xEE20] =	vst v63  }
0x66: {  	s17 =	simm.s32 $0x10;
	s19 =	simm.s32 $0x2990;
	_ =	swait.ge [sflag:s25], $0x500  }
0x67: {  	s16 =	simm.s32 $0x9;
	s8 =	sshrl.u32 s8, $0x2;
	[sflag:s25] =	ssyncset.done $0x0  }
0x68: {  	s8 =	sadd.s32 $0x4E20, s8;
	s9 =	sand.u32 $0xF, s17;
	[sflag:s25] =	ssyncadd.s32 $0xFFFFFB00  }
0x69: {  	[spmem:s3] =	stream.indirect.scatter.add.f32 [tilespmem:s8], [sflag:$0x2], $0x10, s19, s15, $0xb8;
	[tilespmem:$0xEE20] =	vst v63  }
0x6a: {  	s10 =	smul.u32 $0x1400, s9;
	s9 =	simm.s32 $0x29E0;
	_ =	swait.ge [sflag:s2], $0x500  }
0x6b: {  	s13 =	simm.s32 $0x12;
	s8 =	simm.s32 $0x550;
	[sflag:s2] =	ssyncset.done $0x0  }
.LBB2_2:
0x6c: {  	s16 =	sand.u32 $0xF, s16  }
0x6d: {  	s10 =	sshrl.u32 s10, $0x2;
	s17 =	smov.u32 s13;
	s14 =	sadd.s32 $0x1, s13  }
0x6e: {  	s19 =	smov.u32 s7;
	s7 =	smov.u32 s8;
	p0 =	sne.s32 s13, $0x7C  }
0x6f: {  	s16 =	smul.u32 $0x1400, s16;
	[sflag:s2] =	ssyncadd.s32 $0xFFFFFB00;
	s10 =	sadd.s32 $0x4E20, s10  }
0x70: {  	[tilespmem:s10], [sflag:$0x1] =	stream.indirect.gather [spmem:s4], $0x10, s19, s15, $0xb8;
	[tilespmem:$0xEE20] =	vst v63  }
0x71: {  	s13 =	sand.u32 $0xF, s30;
	_ =	swait.ge [sflag:s25], $0x500;
	s10 =	sshrl.u32 s16, $0x2  }
.Ltmp0:
0x72: {  	[sflag:s25] =	ssyncset.done $0x0;
	s10 =	sadd.s32 $0x4E20, s10;
	(pc) =	sbr.rel @p0 .LBB2_2-.Ltmp0, $4  }
0x73: {  	s8 =	sadd.s32 $0x50, s8;
	s30 =	smov.u32 s17;
	[sflag:s25] =	ssyncadd.s32 $0xFFFFFB00  }
0x74: {  	[spmem:s3] =	stream.indirect.scatter.add.f32 [tilespmem:s10], [sflag:$0x2], $0x10, s9, s15, $0xb8;
	[tilespmem:$0xEE20] =	vst v63  }
0x75: {  	s10 =	smul.u32 $0x1400, s13;
	s9 =	sadd.s32 $0x50, s9;
	_ =	swait.ge [sflag:s2], $0x500  }
0x76: {  	s16 =	sadd.s32 $0xFFFFFFF8, s30;
	s13 =	smov.u32 s14;
	[sflag:s2] =	ssyncset.done $0x0  }
0x77: {  	s10 =	sshrl.u32 s10, $0x2  }
0x78: {  	[sflag:s2] =	ssyncadd.s32 $0xFFFFFB00;
	s19 =	sand.u32 $0xF, s16;
	s10 =	sadd.s32 $0x4E20, s10  }
0x79: {  	[tilespmem:s10], [sflag:$0x1] =	stream.indirect.gather [spmem:s4], $0x10, s7, s15, $0xb8;
	[tilespmem:$0xEE20] =	vst v63  }
0x7a: {  	s7 =	smul.u32 $0x1400, s19  }
0x7b: {  	_ =	swait.ge [sflag:s25], $0x500  }
0x7c: {  	s7 =	sshrl.u32 s7, $0x2;
	[sflag:s25] =	ssyncset.done $0x0  }
0x7d: {  	s30 =	sand.u32 $0xF, s30;
	s7 =	sadd.s32 $0x4E20, s7;
	[sflag:s25] =	ssyncadd.s32 $0xFFFFFB00  }
0x7e: {  	[spmem:s3] =	stream.indirect.scatter.add.f32 [tilespmem:s7], [sflag:$0x2], $0x10, s9, s15, $0xb8;
	[tilespmem:$0xEE20] =	vst v63  }
0x7f: {  	s7 =	smul.u32 $0x1400, s30  }
0x80: {  	_ =	swait.ge [sflag:s2], $0x500  }
0x81: {  	[sflag:s2] =	ssyncset.done $0x0;
	s7 =	sshrl.u32 s7, $0x2  }
0x82: {  	[sflag:s2] =	ssyncadd.s32 $0xFFFFFB00;
	s7 =	sadd.s32 $0x4E20, s7  }
0x83: {  	[tilespmem:s7], [sflag:$0x1] =	stream.indirect.gather [spmem:s4], $0x10, s8, s15, $0xb8;
	[tilespmem:$0xEE20] =	vst v63  }
0x84: {  	_ =	swait.ge [sflag:s25], $0x500  }
0x85: {  	[sflag:s25] =	ssyncset.done $0x0  }
0x86: {  	s8 =	simm.s32 $0x4BA0;
	[sflag:s25] =	ssyncadd.s32 $0xFFFFFB00  }
0x87: {  	[spmem:s3] =	stream.indirect.scatter.add.f32 [tilespmem:s26], [sflag:$0x2], $0x10, s8, s15, $0xb8;
	[tilespmem:$0xEE20] =	vst v63  }
0x88: {  	_ =	swait.ge [sflag:s2], $0x500  }
0x89: {  	[sflag:s2] =	ssyncset.done $0x0  }
0x8a: {  	[sflag:s2] =	ssyncadd.s32 $0xFFFFFB00  }
0x8b: {  	_ =	swait.ge [sflag:s25], $0x500  }
0x8c: {  	[sflag:s25] =	ssyncset.done $0x0  }
0x8d: {  	s9 =	simm.s32 $0x4BF0;
	[sflag:s25] =	ssyncadd.s32 $0xFFFFFB00  }
0x8e: {  	[spmem:s3] =	stream.indirect.scatter.add.f32 [tilespmem:s29], [sflag:$0x2], $0x10, s9, s15, $0xb8;
	[tilespmem:$0xEE20] =	vst v63  }
0x8f: {  	_ =	swait.ge [sflag:s2], $0x500  }
0x90: {  	[sflag:s2] =	ssyncset.done $0x0  }
0x91: {  	[sflag:s2] =	ssyncadd.s32 $0xFFFFFB00  }
0x92: {  	_ =	swait.ge [sflag:s25], $0x500  }
0x93: {  	[sflag:s25] =	ssyncset.done $0x0  }
0x94: {  	s10 =	simm.s32 $0x4C40;
	[sflag:s25] =	ssyncadd.s32 $0xFFFFFB00  }
0x95: {  	[spmem:s3] =	stream.indirect.scatter.add.f32 [tilespmem:s31], [sflag:$0x2], $0x10, s10, s15, $0xb8;
	[tilespmem:$0xEE20] =	vst v63  }
0x96: {  	_ =	swait.ge [sflag:s2], $0x500  }
0x97: {  	[sflag:s2] =	ssyncset.done $0x0  }
0x98: {  	[sflag:s2] =	ssyncadd.s32 $0xFFFFFB00  }
0x99: {  	_ =	swait.ge [sflag:s25], $0x500  }
0x9a: {  	[sflag:s25] =	ssyncset.done $0x0  }
0x9b: {  	s13 =	simm.s32 $0x4C90;
	[sflag:s25] =	ssyncadd.s32 $0xFFFFFB00  }
0x9c: {  	[spmem:s3] =	stream.indirect.scatter.add.f32 [tilespmem:s1], [sflag:$0x2], $0x10, s13, s15, $0xb8;
	[tilespmem:$0xEE20] =	vst v63  }
0x9d: {  	_ =	swait.ge [sflag:s2], $0x500  }
0x9e: {  	[sflag:s2] =	ssyncset.done $0x0  }
0x9f: {  	[sflag:s2] =	ssyncadd.s32 $0xFFFFFB00  }
0xa0: {  	_ =	swait.ge [sflag:s25], $0x500  }
0xa1: {  	[sflag:s25] =	ssyncset.done $0x0  }
0xa2: {  	s14 =	simm.s32 $0x4CE0;
	[sflag:s25] =	ssyncadd.s32 $0xFFFFFB00  }
0xa3: {  	[spmem:s3] =	stream.indirect.scatter.add.f32 [tilespmem:s18], [sflag:$0x2], $0x10, s14, s15, $0xb8;
	[tilespmem:$0xEE20] =	vst v63  }
0xa4: {  	_ =	swait.ge [sflag:s2], $0x500  }
0xa5: {  	[sflag:s2] =	ssyncset.done $0x0  }
0xa6: {  	[sflag:s2] =	ssyncadd.s32 $0xFFFFFB00  }
0xa7: {  	_ =	swait.ge [sflag:s25], $0x500  }
0xa8: {  	[sflag:s25] =	ssyncset.done $0x0  }
0xa9: {  	s16 =	simm.s32 $0x4D30;
	[sflag:s25] =	ssyncadd.s32 $0xFFFFFB00  }
0xaa: {  	[spmem:s3] =	stream.indirect.scatter.add.f32 [tilespmem:s22], [sflag:$0x2], $0x10, s16, s15, $0xb8;
	[tilespmem:$0xEE20] =	vst v63  }
0xab: {  	_ =	swait.ge [sflag:s2], $0x500  }
0xac: {  	[sflag:s2] =	ssyncset.done $0x0  }
0xad: {  	[sflag:s2] =	ssyncadd.s32 $0xFFFFFB00  }
0xae: {  	_ =	swait.ge [sflag:s25], $0x500  }
0xaf: {  	[sflag:s25] =	ssyncset.done $0x0  }
0xb0: {  	s17 =	simm.s32 $0x4D80;
	[sflag:s25] =	ssyncadd.s32 $0xFFFFFB00  }
0xb1: {  	[spmem:s3] =	stream.indirect.scatter.add.f32 [tilespmem:s28], [sflag:$0x2], $0x10, s17, s15, $0xb8;
	[tilespmem:$0xEE20] =	vst v63  }
0xb2: {  	_ =	swait.ge [sflag:s2], $0x500  }
0xb3: {  	[sflag:s2] =	ssyncset.done $0x0  }
0xb4: {  	[sflag:s2] =	ssyncadd.s32 $0xFFFFFB00  }
0xb5: {  	_ =	swait.ge [sflag:s25], $0x500  }
0xb6: {  	[sflag:s25] =	ssyncset.done $0x0  }
0xb7: {  	s19 =	simm.s32 $0x4DD0;
	[sflag:s25] =	ssyncadd.s32 $0xFFFFFB00  }
0xb8: {  	[spmem:s3] =	stream.indirect.scatter.add.f32 [tilespmem:s0], [sflag:$0x2], $0x10, s19, s15, $0xb8;
	[tilespmem:$0xEE20] =	vst v63  }
0xb9: {  	_ =	swait.ge [sflag:s2], $0x500  }
0xba: {  	[sflag:s2] =	ssyncset.done $0x0  }
0xbb: {  	[sflag:s2] =	ssyncadd.s32 $0xFFFFFB00  }
0xbc: {  	_ =	swait.ge [sflag:s2], $0x500  }
0xbd: {  	[sflag:s2] =	ssyncset.done $0x0  }
0xbe: {  	[sflag:s2] =	ssyncadd.s32 $0xFFFFFB00  }
0xbf: {  	_ =	swait.ge [sflag:s2], $0x500  }
0xc0: {  	[sflag:s2] =	ssyncset.done $0x0  }
0xc1: {  	[sflag:s2] =	ssyncadd.s32 $0xFFFFFB00  }
0xc2: {  	_ =	swait.ge [sflag:s2], $0x500  }
0xc3: {  	[sflag:s2] =	ssyncset.done $0x0  }
0xc4: {  	[sflag:s2] =	ssyncadd.s32 $0xFFFFFB00  }
0xc5: {  	_ =	swait.ge [sflag:s2], $0x500  }
0xc6: {  	[sflag:s2] =	ssyncset.done $0x0  }
0xc7: {  	[sflag:s2] =	ssyncadd.s32 $0xFFFFFB00  }
0xc8: {  	_ =	swait.ge [sflag:s2], $0x500  }
0xc9: {  	[sflag:s2] =	ssyncset.done $0x0  }
0xca: {  	[sflag:s2] =	ssyncadd.s32 $0xFFFFFB00  }
0xcb: {  	_ =	swait.ge [sflag:s2], $0x500  }
0xcc: {  	[sflag:s2] =	ssyncset.done $0x0  }
0xcd: {  	[sflag:s2] =	ssyncadd.s32 $0xFFFFFB00  }
0xce: {  	_ =	swait.ge [sflag:s2], $0x500  }
0xcf: {  	[sflag:s2] =	ssyncset.done $0x0  }
0xd0: {  	[sflag:s2] =	ssyncadd.s32 $0xFFFFFB00  }
0xd1: {  	_ =	swait.ge [sflag:s2], $0x500  }
0xd2: {  	[sflag:s2] =	ssyncset.done $0x0  }
0xd3: {  	[sflag:s2] =	ssyncadd.s32 $0xFFFFFB00  }
0xd4: {  	[bflag:$0x0] =	sbarrier.arrive $0xFFFF  }
0xd5: {  	[hbm:s24], [sflag:s6] =	dma.local [spmem:s11], $0x500  }
0xd6: {  	_ =	swait.ge [sflag:s12], $0x500  }
0xd7: {  	s20 =	sadd.s32 $0x1, s20;
	s30 =	rddreg [dreg:$0x8]  }
0xd8: {  	p0 =	sne.s32 s20, s30  }
.Ltmp1:
0xd9: {  	_ = 	snop;
	(pc) =	sbr.rel @p0 .LBB2_1-.Ltmp1, $3  }
0xda: {  	_ =	sdelay $0x1  }
0xdb: {  	[sflag:s12] =	ssyncset.done $0x0  }
0xdc: {  	[sflag:s12] =	ssyncadd.s32 $0xFFFFFB00  }
0xdd: {  	_ =	sfence.sel $0x180000  }
0xde: {  	[bflag:$0x0] =	sbarrier.arrive $0xFFFF  }
0xdf: {  	_ =	strace $0x9000004D  }
0xe0: {  	s0 =	stileid.u32;
	[bflag:$0x2] =	sbarrier.arrive $0xFFFF  }
0xe1: {  	p0 =	sne.s32 s0, $0x0;
	s0 =	rddreg [dreg:$0x4]  }
0xe2: {  	s0 =	sadd.s32 @!p0 $0x100000, s0  }
0xe3: {  	[sflag:s0] =	ssyncadd.tile.s32 @!p0 $0x1;
	_ =	shalt  }
.Lfunc_end2:
_tile_overlayer_lowered:
.L_overlay_start_2:
0xe4: {  	(tag) =	ssettag $0x2  }
0xe5: {  	s0 =	rddreg [dreg:$0x0];
	s2 =	stileid.u32  }
0xe6: {  	s1 =	rddreg [dreg:$0x1];
	p0 =	sne.s32 s2, $0x0  }
0xe7: {  	s3 =	rddreg [dreg:$0x2];
	[bflag:$0x3] =	sbarrier.arrive $0xFFFF;
	s2 =	simm.s32 @!p0 $0x1C03  }
0xe8: {  	[timem:s3], [sflag:s2] =	dma.local @!p0 [hbm:s0], s1  }
0xe9: {  	s0 =	simm.s32 @!p0 $0x3  }
0xea: {  	_ =	swait.ge @!p0 [sflag:s0], s1  }
0xeb: {  	s1 =	ssub.s32 @!p0 $0x0, s1;
	[sflag:s0] =	ssyncset.done @!p0 $0x0  }
0xec: {  	[sflag:s0] =	ssyncadd.s32 @!p0 s1  }
0xed: {  	[bflag:$0x3] =	sbarrier.arrive $0xFFFF  }
0xee: {  	_ =	shalt  }

</sc_bundles>
